<compile_context>
chip_gen: v7x
topology: tpu7x:2x2x1
jax: 0.10.2.dev20260603
libtpu: 0.0.44.dev20260713+nightly
codegen_flags: <defaults>
</compile_context>

<pallas_src>
import functools

import jax
import jax.numpy as jnp
from jax import lax
from jax.experimental import pallas as pl
from jax.experimental.pallas import tpu as pltpu
from jax.experimental.pallas import tpu_sc as plsc

ROWS = 16384
COLS = 4096
LANES = 16
NUM_WORKERS = 32
ROWS_PER_WORKER = ROWS // NUM_WORKERS
R = 2
CHUNK = R * COLS
NUM_CHUNKS = ROWS_PER_WORKER // R
NVEC = COLS // LANES
NBUF = 4

_mesh = plsc.VectorSubcoreMesh(core_axis_name="c", subcore_axis_name="s")

_scratch = (
    [pltpu.VMEM((COLS,), jnp.int32)]
    + [pltpu.VMEM((CHUNK,), jnp.float32) for _ in range(2 * NBUF)]
    + [pltpu.SemaphoreType.DMA for _ in range(2 * NBUF)]
)


@functools.partial(
    pl.kernel,
    out_type=jax.ShapeDtypeStruct((ROWS * COLS,), jnp.float32),
    mesh=_mesh,
    compiler_params=pltpu.CompilerParams(needs_layout_passes=False),
    scratch_types=_scratch,
)
def _permute_sc(x_hbm, perm_hbm, out_hbm, perm_v, *bufs_and_sems):
    ins = bufs_and_sems[0:NBUF]
    obs = bufs_and_sems[NBUF:2 * NBUF]
    isems = bufs_and_sems[2 * NBUF:3 * NBUF]
    osems = bufs_and_sems[3 * NBUF:4 * NBUF]

    wid = lax.axis_index("s") * 2 + lax.axis_index("c")
    base = wid * ROWS_PER_WORKER * COLS

    pltpu.sync_copy(perm_hbm, perm_v)

    def in_off(g):
        return base + jnp.minimum(g, NUM_CHUNKS - 1) * CHUNK

    def gather(src, dst):
        @plsc.parallel_loop(0, NVEC, unroll=8)
        def _(j):
            idxv = perm_v[pl.ds(j * LANES, LANES)]
            for r in range(R):
                v = plsc.load_gather(src, [idxv + (r * COLS)])
                dst[pl.ds(r * COLS + j * LANES, LANES)] = v

    for b in range(NBUF):
        pltpu.async_copy(x_hbm.at[pl.ds(base + b * CHUNK, CHUNK)],
                         ins[b], isems[b])

    def ring_body(go, _):
        for b in range(NBUF):
            g = go + b
            pltpu.make_async_copy(x_hbm.at[pl.ds(base, CHUNK)],
                                  ins[b], isems[b]).wait()

            @pl.when(go > 0)
            def _():
                pltpu.make_async_copy(obs[b],
                                      out_hbm.at[pl.ds(base, CHUNK)],
                                      osems[b]).wait()

            gather(ins[b], obs[b])
            pltpu.async_copy(obs[b],
                             out_hbm.at[pl.ds(base + g * CHUNK, CHUNK)],
                             osems[b])
            pltpu.async_copy(x_hbm.at[pl.ds(in_off(g + NBUF), CHUNK)],
                             ins[b], isems[b])
        return 0

    lax.fori_loop(0, NUM_CHUNKS // NBUF, lambda go, c: ring_body(go * NBUF, c), 0)

    for b in range(NBUF):
        pltpu.make_async_copy(x_hbm.at[pl.ds(base, CHUNK)],
                              ins[b], isems[b]).wait()
        pltpu.make_async_copy(obs[b], out_hbm.at[pl.ds(base, CHUNK)],
                              osems[b]).wait()


def kernel(x, perm, perm_inv):
    del perm_inv
    out_flat = _permute_sc(x.reshape(-1), perm.astype(jnp.int32))
    return out_flat.reshape(ROWS, COLS)

# --- scband reference (transcript-rebuilt; emitter-appended) ---
"""Pipeline reference for scband-permute-random-5652176961997 (READ-ONLY COPY).

The authoritative reference and input builder live on the scoring server;
editing this copy changes nothing except your own understanding.
"""

import jax, jax.numpy as jnp
import numpy as np

IN_CHANNELS = 4096
SEED = 0

def _make_perm():
    rng = np.random.RandomState(SEED)
    perm = rng.permutation(IN_CHANNELS)
    perm_inv = np.zeros_like(perm)
    for i, p in enumerate(perm):
        perm_inv[p] = i
    return perm.astype(np.int64), perm_inv.astype(np.int64)

def setup_inputs(seed: int = 0) -> dict:
    key = jax.random.key(seed)
    x = jax.random.normal(key, (16384, IN_CHANNELS), dtype=jnp.float32)
    perm, perm_inv = _make_perm()
    return {"x": x, "perm": jnp.asarray(perm), "perm_inv": jnp.asarray(perm_inv)}

def reference(x, perm, perm_inv):
    # forward (rev=False): gather columns by fixed permutation
    # equivalent to torch x[:, perm]
    out = jnp.take(x, perm, axis=1)
    return out

if __name__ == "__main__":
    import jax
    _d = setup_inputs()
    print(jax.jit(kernel)(*tuple(_d.values())))

</pallas_src>

<mosaic_0001>
#map = affine_map<(d0, d1) -> (0)>
module attributes {stable_mosaic.version = 14 : i64} {
  func.func @_permute_sc(%arg0: i32, %arg1: i32, %arg2: memref<67108864xf32, #tpu.memory_space<hbm>>, %arg3: memref<4096xi32, #tpu.memory_space<hbm>>, %arg4: memref<67108864xf32, #tpu.memory_space<hbm>>, %arg5: memref<4096xi32, #tpu.memory_space<vmem>>, %arg6: memref<8192xf32, #tpu.memory_space<vmem>>, %arg7: memref<8192xf32, #tpu.memory_space<vmem>>, %arg8: memref<8192xf32, #tpu.memory_space<vmem>>, %arg9: memref<8192xf32, #tpu.memory_space<vmem>>, %arg10: memref<8192xf32, #tpu.memory_space<vmem>>, %arg11: memref<8192xf32, #tpu.memory_space<vmem>>, %arg12: memref<8192xf32, #tpu.memory_space<vmem>>, %arg13: memref<8192xf32, #tpu.memory_space<vmem>>, %arg14: memref<!tpu.dma_semaphore, #tpu.memory_space<semaphore_mem>>, %arg15: memref<!tpu.dma_semaphore, #tpu.memory_space<semaphore_mem>>, %arg16: memref<!tpu.dma_semaphore, #tpu.memory_space<semaphore_mem>>, %arg17: memref<!tpu.dma_semaphore, #tpu.memory_space<semaphore_mem>>, %arg18: memref<!tpu.dma_semaphore, #tpu.memory_space<semaphore_mem>>, %arg19: memref<!tpu.dma_semaphore, #tpu.memory_space<semaphore_mem>>, %arg20: memref<!tpu.dma_semaphore, #tpu.memory_space<semaphore_mem>>, %arg21: memref<!tpu.dma_semaphore, #tpu.memory_space<semaphore_mem>>) attributes {dimension_semantics = [#tpu.dimension_semantics<core_parallel>, #tpu.dimension_semantics<subcore_parallel>], iteration_bounds = array<i64: 2, 16>, scalar_prefetch = 0 : i64, scratch_operands = 17 : i64, tpu.core_type = #tpu.core_type<sc_vector_subcore>, window_params = [{transform_indices = #map}, {transform_indices = #map}, {transform_indices = #map}]} {
    %mul3A = arith.constant 2 : i32
    %mul3A_0 = arith.muli %arg1, %mul3A : i32
    %add3A = arith.addi %mul3A_0, %arg0 : i32
    %mul3A_1 = arith.constant 512 : i32
    %mul3A_2 = arith.muli %add3A, %mul3A_1 : i32
    %mul3A_3 = arith.constant 4096 : i32
    %mul3A_4 = arith.muli %mul3A_2, %mul3A_3 : i32
    "tpu.region"() ({
      %run_scoped3A = tpu.sem_alloc : memref<!tpu.dma_semaphore, #tpu.memory_space<semaphore_mem>>
      tpu.enqueue_dma source(%arg3 : memref<4096xi32, #tpu.memory_space<hbm>>) target(%arg5 : memref<4096xi32, #tpu.memory_space<vmem>>) target_semaphore(%run_scoped3A : memref<!tpu.dma_semaphore, #tpu.memory_space<semaphore_mem>>)
      tpu.wait_dma2 semaphore(%run_scoped3A : memref<!tpu.dma_semaphore, #tpu.memory_space<semaphore_mem>>) src(%arg3 : memref<4096xi32, #tpu.memory_space<hbm>>) dst(%arg5 : memref<4096xi32, #tpu.memory_space<vmem>>)
      tpu.yield
    }) : () -> ()
    %add3A_5 = arith.constant 0 : i32
    %add3A_6 = arith.addi %mul3A_4, %add3A_5 : i32
    %dma_start3A = tpu.memref_slice %arg2[%add3A_6] : memref<67108864xf32, #tpu.memory_space<hbm>> -> memref<8192xf32, #tpu.memory_space<hbm>>
    %dma_start3A_7 = tpu.memref_slice %arg2[%add3A_6] : memref<67108864xf32, #tpu.memory_space<hbm>> -> memref<8192xf32, #tpu.memory_space<hbm>>
    tpu.enqueue_dma source(%dma_start3A_7 : memref<8192xf32, #tpu.memory_space<hbm>>) target(%arg6 : memref<8192xf32, #tpu.memory_space<vmem>>) target_semaphore(%arg14 : memref<!tpu.dma_semaphore, #tpu.memory_space<semaphore_mem>>)
    %add3A_8 = arith.constant 8192 : i32
    %add3A_9 = arith.addi %mul3A_4, %add3A_8 : i32
    %dma_start3A_10 = tpu.memref_slice %arg2[%add3A_9] : memref<67108864xf32, #tpu.memory_space<hbm>> -> memref<8192xf32, #tpu.memory_space<hbm>>
    %dma_start3A_11 = tpu.memref_slice %arg2[%add3A_9] : memref<67108864xf32, #tpu.memory_space<hbm>> -> memref<8192xf32, #tpu.memory_space<hbm>>
    tpu.enqueue_dma source(%dma_start3A_11 : memref<8192xf32, #tpu.memory_space<hbm>>) target(%arg7 : memref<8192xf32, #tpu.memory_space<vmem>>) target_semaphore(%arg15 : memref<!tpu.dma_semaphore, #tpu.memory_space<semaphore_mem>>)
    %add3A_12 = arith.constant 16384 : i32
    %add3A_13 = arith.addi %mul3A_4, %add3A_12 : i32
    %dma_start3A_14 = tpu.memref_slice %arg2[%add3A_13] : memref<67108864xf32, #tpu.memory_space<hbm>> -> memref<8192xf32, #tpu.memory_space<hbm>>
    %dma_start3A_15 = tpu.memref_slice %arg2[%add3A_13] : memref<67108864xf32, #tpu.memory_space<hbm>> -> memref<8192xf32, #tpu.memory_space<hbm>>
    tpu.enqueue_dma source(%dma_start3A_15 : memref<8192xf32, #tpu.memory_space<hbm>>) target(%arg8 : memref<8192xf32, #tpu.memory_space<vmem>>) target_semaphore(%arg16 : memref<!tpu.dma_semaphore, #tpu.memory_space<semaphore_mem>>)
    %add3A_16 = arith.constant 24576 : i32
    %add3A_17 = arith.addi %mul3A_4, %add3A_16 : i32
    %dma_start3A_18 = tpu.memref_slice %arg2[%add3A_17] : memref<67108864xf32, #tpu.memory_space<hbm>> -> memref<8192xf32, #tpu.memory_space<hbm>>
    %dma_start3A_19 = tpu.memref_slice %arg2[%add3A_17] : memref<67108864xf32, #tpu.memory_space<hbm>> -> memref<8192xf32, #tpu.memory_space<hbm>>
    tpu.enqueue_dma source(%dma_start3A_19 : memref<8192xf32, #tpu.memory_space<hbm>>) target(%arg9 : memref<8192xf32, #tpu.memory_space<vmem>>) target_semaphore(%arg17 : memref<!tpu.dma_semaphore, #tpu.memory_space<semaphore_mem>>)
    %scan3A = arith.constant 0 : i32
    %scan3A_20 = arith.constant 0 : i32
    %scan3A_21 = arith.constant 64 : i32
    %scan3A_22 = arith.addi %scan3A_20, %scan3A_21 : i32
    %scan3A_23 = arith.constant 1 : i32
    %scan3A_24 = scf.for %scan3A_41 = %scan3A_20 to %scan3A_22 step %scan3A_23 iter_args(%scan3A_42 = %scan3A) -> (i32)  : i32 {
      %mul3A_43 = arith.constant 4 : i32
      %mul3A_44 = arith.muli %scan3A_41, %mul3A_43 : i32
      %add3A_45 = arith.constant 0 : i32
      %add3A_46 = arith.addi %mul3A_44, %add3A_45 : i32
      %dma_wait3A_47 = tpu.memref_slice %arg2[%mul3A_4] : memref<67108864xf32, #tpu.memory_space<hbm>> -> memref<8192xf32, #tpu.memory_space<hbm>>
      %dma_wait3A_48 = tpu.memref_slice %arg2[%mul3A_4] : memref<67108864xf32, #tpu.memory_space<hbm>> -> memref<8192xf32, #tpu.memory_space<hbm>>
      tpu.wait_dma2 semaphore(%arg14 : memref<!tpu.dma_semaphore, #tpu.memory_space<semaphore_mem>>) src(%dma_wait3A_48 : memref<8192xf32, #tpu.memory_space<hbm>>) dst(%arg6 : memref<8192xf32, #tpu.memory_space<vmem>>)
      %gt3A = arith.constant 0 : i32
      %gt3A_49 = arith.cmpi sgt, %mul3A_44, %gt3A : i32
      %convert_element_type3A = arith.extui %gt3A_49 : i1 to i32
      %cond3A = arith.constant 0 : i32
      %cond3A_50 = arith.cmpi ne, %convert_element_type3A, %cond3A : i32
      scf.if %cond3A_50 {
        %dma_wait3A_145 = tpu.memref_slice %arg4[%mul3A_4] : memref<67108864xf32, #tpu.memory_space<hbm>> -> memref<8192xf32, #tpu.memory_space<hbm>>
        %dma_wait3A_146 = tpu.memref_slice %arg4[%mul3A_4] : memref<67108864xf32, #tpu.memory_space<hbm>> -> memref<8192xf32, #tpu.memory_space<hbm>>
        tpu.wait_dma2 semaphore(%arg18 : memref<!tpu.dma_semaphore, #tpu.memory_space<semaphore_mem>>) src(%arg10 : memref<8192xf32, #tpu.memory_space<vmem>>) dst(%dma_wait3A_146 : memref<8192xf32, #tpu.memory_space<hbm>>)
      } else {
      }
      %parallel_loop3A = arith.constant 0 : i32
      %parallel_loop3A_51 = arith.constant 256 : i32
      %parallel_loop3A_52 = arith.constant 1 : i32
      scf.for %parallel_loop3A_145 = %parallel_loop3A to %parallel_loop3A_51 step %parallel_loop3A_52  : i32 {
        %parallel_loop3A_146 = arith.constant 16 : i32
        %parallel_loop3A_147 = arith.muli %parallel_loop3A_145, %parallel_loop3A_146 : i32
        %parallel_loop3A_148 = arith.index_cast %parallel_loop3A_147 : i32 to index
        %parallel_loop3A_149 = tpu.vector_load %arg5[%parallel_loop3A_148] {strides = array<i32>} : memref<4096xi32, #tpu.memory_space<vmem>>, vector<16xi32>,
        %parallel_loop3A_150 = arith.constant 0 : i32
        %parallel_loop3A_151 = vector.broadcast %parallel_loop3A_150 : i32 to vector<16xi32>
        %parallel_loop3A_152 = arith.addi %parallel_loop3A_149, %parallel_loop3A_151 : vector<16xi32>
        %parallel_loop3A_153 = tpu.vector_load_idx %arg6[%parallel_loop3A_152] : memref<8192xf32, #tpu.memory_space<vmem>>[vector<16xi32>], vector<16xf32>,
        %parallel_loop3A_154 = arith.constant 16 : i32
        %parallel_loop3A_155 = arith.muli %parallel_loop3A_145, %parallel_loop3A_154 : i32
        %parallel_loop3A_156 = arith.constant 0 : i32
        %parallel_loop3A_157 = arith.addi %parallel_loop3A_156, %parallel_loop3A_155 : i32
        %parallel_loop3A_158 = arith.index_cast %parallel_loop3A_157 : i32 to index
        %parallel_loop3A_159 = tpu.vector_load %arg10[%parallel_loop3A_158] {strides = array<i32>} : memref<8192xf32, #tpu.memory_space<vmem>>, vector<16xf32>,
        tpu.vector_store %arg10[%parallel_loop3A_158], %parallel_loop3A_153 {strides = array<i32>} : memref<8192xf32, #tpu.memory_space<vmem>>, vector<16xf32>,
        %parallel_loop3A_160 = arith.constant 4096 : i32
        %parallel_loop3A_161 = vector.broadcast %parallel_loop3A_160 : i32 to vector<16xi32>
        %parallel_loop3A_162 = arith.addi %parallel_loop3A_149, %parallel_loop3A_161 : vector<16xi32>
        %parallel_loop3A_163 = tpu.vector_load_idx %arg6[%parallel_loop3A_162] : memref<8192xf32, #tpu.memory_space<vmem>>[vector<16xi32>], vector<16xf32>,
        %parallel_loop3A_164 = arith.constant 16 : i32
        %parallel_loop3A_165 = arith.muli %parallel_loop3A_145, %parallel_loop3A_164 : i32
        %parallel_loop3A_166 = arith.constant 4096 : i32
        %parallel_loop3A_167 = arith.addi %parallel_loop3A_166, %parallel_loop3A_165 : i32
        %parallel_loop3A_168 = arith.index_cast %parallel_loop3A_167 : i32 to index
        %parallel_loop3A_169 = tpu.vector_load %arg10[%parallel_loop3A_168] {strides = array<i32>} : memref<8192xf32, #tpu.memory_space<vmem>>, vector<16xf32>,
        tpu.vector_store %arg10[%parallel_loop3A_168], %parallel_loop3A_163 {strides = array<i32>} : memref<8192xf32, #tpu.memory_space<vmem>>, vector<16xf32>,
      } {sc.loop_unroll_factor = 8 : i64, sc.parallel_access}
      %mul3A_53 = arith.constant 8192 : i32
      %mul3A_54 = arith.muli %add3A_46, %mul3A_53 : i32
      %add3A_55 = arith.addi %mul3A_4, %mul3A_54 : i32
      %dma_start3A_56 = tpu.memref_slice %arg4[%add3A_55] : memref<67108864xf32, #tpu.memory_space<hbm>> -> memref<8192xf32, #tpu.memory_space<hbm>>
      %dma_start3A_57 = tpu.memref_slice %arg4[%add3A_55] : memref<67108864xf32, #tpu.memory_space<hbm>> -> memref<8192xf32, #tpu.memory_space<hbm>>
      tpu.enqueue_dma source(%arg10 : memref<8192xf32, #tpu.memory_space<vmem>>) target(%dma_start3A_57 : memref<8192xf32, #tpu.memory_space<hbm>>) target_semaphore(%arg18 : memref<!tpu.dma_semaphore, #tpu.memory_space<semaphore_mem>>)
      %add3A_58 = arith.constant 4 : i32
      %add3A_59 = arith.addi %add3A_46, %add3A_58 : i32
      %min3A = arith.constant 255 : i32
      %min3A_60 = arith.minsi %add3A_59, %min3A : i32
      %mul3A_61 = arith.constant 8192 : i32
      %mul3A_62 = arith.muli %min3A_60, %mul3A_61 : i32
      %add3A_63 = arith.addi %mul3A_4, %mul3A_62 : i32
      %dma_start3A_64 = tpu.memref_slice %arg2[%add3A_63] : memref<67108864xf32, #tpu.memory_space<hbm>> -> memref<8192xf32, #tpu.memory_space<hbm>>
      %dma_start3A_65 = tpu.memref_slice %arg2[%add3A_63] : memref<67108864xf32, #tpu.memory_space<hbm>> -> memref<8192xf32, #tpu.memory_space<hbm>>
      tpu.enqueue_dma source(%dma_start3A_65 : memref<8192xf32, #tpu.memory_space<hbm>>) target(%arg6 : memref<8192xf32, #tpu.memory_space<vmem>>) target_semaphore(%arg14 : memref<!tpu.dma_semaphore, #tpu.memory_space<semaphore_mem>>)
      %add3A_66 = arith.constant 1 : i32
      %add3A_67 = arith.addi %mul3A_44, %add3A_66 : i32
      %dma_wait3A_68 = tpu.memref_slice %arg2[%mul3A_4] : memref<67108864xf32, #tpu.memory_space<hbm>> -> memref<8192xf32, #tpu.memory_space<hbm>>
      %dma_wait3A_69 = tpu.memref_slice %arg2[%mul3A_4] : memref<67108864xf32, #tpu.memory_space<hbm>> -> memref<8192xf32, #tpu.memory_space<hbm>>
      tpu.wait_dma2 semaphore(%arg15 : memref<!tpu.dma_semaphore, #tpu.memory_space<semaphore_mem>>) src(%dma_wait3A_69 : memref<8192xf32, #tpu.memory_space<hbm>>) dst(%arg7 : memref<8192xf32, #tpu.memory_space<vmem>>)
      %gt3A_70 = arith.constant 0 : i32
      %gt3A_71 = arith.cmpi sgt, %mul3A_44, %gt3A_70 : i32
      %convert_element_type3A_72 = arith.extui %gt3A_71 : i1 to i32
      %cond3A_73 = arith.constant 0 : i32
      %cond3A_74 = arith.cmpi ne, %convert_element_type3A_72, %cond3A_73 : i32
      scf.if %cond3A_74 {
        %dma_wait3A_145 = tpu.memref_slice %arg4[%mul3A_4] : memref<67108864xf32, #tpu.memory_space<hbm>> -> memref<8192xf32, #tpu.memory_space<hbm>>
        %dma_wait3A_146 = tpu.memref_slice %arg4[%mul3A_4] : memref<67108864xf32, #tpu.memory_space<hbm>> -> memref<8192xf32, #tpu.memory_space<hbm>>
        tpu.wait_dma2 semaphore(%arg19 : memref<!tpu.dma_semaphore, #tpu.memory_space<semaphore_mem>>) src(%arg11 : memref<8192xf32, #tpu.memory_space<vmem>>) dst(%dma_wait3A_146 : memref<8192xf32, #tpu.memory_space<hbm>>)
      } else {
      }
      %parallel_loop3A_75 = arith.constant 0 : i32
      %parallel_loop3A_76 = arith.constant 256 : i32
      %parallel_loop3A_77 = arith.constant 1 : i32
      scf.for %parallel_loop3A_145 = %parallel_loop3A_75 to %parallel_loop3A_76 step %parallel_loop3A_77  : i32 {
        %parallel_loop3A_146 = arith.constant 16 : i32
        %parallel_loop3A_147 = arith.muli %parallel_loop3A_145, %parallel_loop3A_146 : i32
        %parallel_loop3A_148 = arith.index_cast %parallel_loop3A_147 : i32 to index
        %parallel_loop3A_149 = tpu.vector_load %arg5[%parallel_loop3A_148] {strides = array<i32>} : memref<4096xi32, #tpu.memory_space<vmem>>, vector<16xi32>,
        %parallel_loop3A_150 = arith.constant 0 : i32
        %parallel_loop3A_151 = vector.broadcast %parallel_loop3A_150 : i32 to vector<16xi32>
        %parallel_loop3A_152 = arith.addi %parallel_loop3A_149, %parallel_loop3A_151 : vector<16xi32>
        %parallel_loop3A_153 = tpu.vector_load_idx %arg7[%parallel_loop3A_152] : memref<8192xf32, #tpu.memory_space<vmem>>[vector<16xi32>], vector<16xf32>,
        %parallel_loop3A_154 = arith.constant 16 : i32
        %parallel_loop3A_155 = arith.muli %parallel_loop3A_145, %parallel_loop3A_154 : i32
        %parallel_loop3A_156 = arith.constant 0 : i32
        %parallel_loop3A_157 = arith.addi %parallel_loop3A_156, %parallel_loop3A_155 : i32
        %parallel_loop3A_158 = arith.index_cast %parallel_loop3A_157 : i32 to index
        %parallel_loop3A_159 = tpu.vector_load %arg11[%parallel_loop3A_158] {strides = array<i32>} : memref<8192xf32, #tpu.memory_space<vmem>>, vector<16xf32>,
        tpu.vector_store %arg11[%parallel_loop3A_158], %parallel_loop3A_153 {strides = array<i32>} : memref<8192xf32, #tpu.memory_space<vmem>>, vector<16xf32>,
        %parallel_loop3A_160 = arith.constant 4096 : i32
        %parallel_loop3A_161 = vector.broadcast %parallel_loop3A_160 : i32 to vector<16xi32>
        %parallel_loop3A_162 = arith.addi %parallel_loop3A_149, %parallel_loop3A_161 : vector<16xi32>
        %parallel_loop3A_163 = tpu.vector_load_idx %arg7[%parallel_loop3A_162] : memref<8192xf32, #tpu.memory_space<vmem>>[vector<16xi32>], vector<16xf32>,
        %parallel_loop3A_164 = arith.constant 16 : i32
        %parallel_loop3A_165 = arith.muli %parallel_loop3A_145, %parallel_loop3A_164 : i32
        %parallel_loop3A_166 = arith.constant 4096 : i32
        %parallel_loop3A_167 = arith.addi %parallel_loop3A_166, %parallel_loop3A_165 : i32
        %parallel_loop3A_168 = arith.index_cast %parallel_loop3A_167 : i32 to index
        %parallel_loop3A_169 = tpu.vector_load %arg11[%parallel_loop3A_168] {strides = array<i32>} : memref<8192xf32, #tpu.memory_space<vmem>>, vector<16xf32>,
        tpu.vector_store %arg11[%parallel_loop3A_168], %parallel_loop3A_163 {strides = array<i32>} : memref<8192xf32, #tpu.memory_space<vmem>>, vector<16xf32>,
      } {sc.loop_unroll_factor = 8 : i64, sc.parallel_access}
      %mul3A_78 = arith.constant 8192 : i32
      %mul3A_79 = arith.muli %add3A_67, %mul3A_78 : i32
      %add3A_80 = arith.addi %mul3A_4, %mul3A_79 : i32
      %dma_start3A_81 = tpu.memref_slice %arg4[%add3A_80] : memref<67108864xf32, #tpu.memory_space<hbm>> -> memref<8192xf32, #tpu.memory_space<hbm>>
      %dma_start3A_82 = tpu.memref_slice %arg4[%add3A_80] : memref<67108864xf32, #tpu.memory_space<hbm>> -> memref<8192xf32, #tpu.memory_space<hbm>>
      tpu.enqueue_dma source(%arg11 : memref<8192xf32, #tpu.memory_space<vmem>>) target(%dma_start3A_82 : memref<8192xf32, #tpu.memory_space<hbm>>) target_semaphore(%arg19 : memref<!tpu.dma_semaphore, #tpu.memory_space<semaphore_mem>>)
      %add3A_83 = arith.constant 4 : i32
      %add3A_84 = arith.addi %add3A_67, %add3A_83 : i32
      %min3A_85 = arith.constant 255 : i32
      %min3A_86 = arith.minsi %add3A_84, %min3A_85 : i32
      %mul3A_87 = arith.constant 8192 : i32
      %mul3A_88 = arith.muli %min3A_86, %mul3A_87 : i32
      %add3A_89 = arith.addi %mul3A_4, %mul3A_88 : i32
      %dma_start3A_90 = tpu.memref_slice %arg2[%add3A_89] : memref<67108864xf32, #tpu.memory_space<hbm>> -> memref<8192xf32, #tpu.memory_space<hbm>>
      %dma_start3A_91 = tpu.memref_slice %arg2[%add3A_89] : memref<67108864xf32, #tpu.memory_space<hbm>> -> memref<8192xf32, #tpu.memory_space<hbm>>
      tpu.enqueue_dma source(%dma_start3A_91 : memref<8192xf32, #tpu.memory_space<hbm>>) target(%arg7 : memref<8192xf32, #tpu.memory_space<vmem>>) target_semaphore(%arg15 : memref<!tpu.dma_semaphore, #tpu.memory_space<semaphore_mem>>)
      %add3A_92 = arith.constant 2 : i32
      %add3A_93 = arith.addi %mul3A_44, %add3A_92 : i32
      %dma_wait3A_94 = tpu.memref_slice %arg2[%mul3A_4] : memref<67108864xf32, #tpu.memory_space<hbm>> -> memref<8192xf32, #tpu.memory_space<hbm>>
      %dma_wait3A_95 = tpu.memref_slice %arg2[%mul3A_4] : memref<67108864xf32, #tpu.memory_space<hbm>> -> memref<8192xf32, #tpu.memory_space<hbm>>
      tpu.wait_dma2 semaphore(%arg16 : memref<!tpu.dma_semaphore, #tpu.memory_space<semaphore_mem>>) src(%dma_wait3A_95 : memref<8192xf32, #tpu.memory_space<hbm>>) dst(%arg8 : memref<8192xf32, #tpu.memory_space<vmem>>)
      %gt3A_96 = arith.constant 0 : i32
      %gt3A_97 = arith.cmpi sgt, %mul3A_44, %gt3A_96 : i32
      %convert_element_type3A_98 = arith.extui %gt3A_97 : i1 to i32
      %cond3A_99 = arith.constant 0 : i32
      %cond3A_100 = arith.cmpi ne, %convert_element_type3A_98, %cond3A_99 : i32
      scf.if %cond3A_100 {
        %dma_wait3A_145 = tpu.memref_slice %arg4[%mul3A_4] : memref<67108864xf32, #tpu.memory_space<hbm>> -> memref<8192xf32, #tpu.memory_space<hbm>>
        %dma_wait3A_146 = tpu.memref_slice %arg4[%mul3A_4] : memref<67108864xf32, #tpu.memory_space<hbm>> -> memref<8192xf32, #tpu.memory_space<hbm>>
        tpu.wait_dma2 semaphore(%arg20 : memref<!tpu.dma_semaphore, #tpu.memory_space<semaphore_mem>>) src(%arg12 : memref<8192xf32, #tpu.memory_space<vmem>>) dst(%dma_wait3A_146 : memref<8192xf32, #tpu.memory_space<hbm>>)
      } else {
      }
      %parallel_loop3A_101 = arith.constant 0 : i32
      %parallel_loop3A_102 = arith.constant 256 : i32
      %parallel_loop3A_103 = arith.constant 1 : i32
      scf.for %parallel_loop3A_145 = %parallel_loop3A_101 to %parallel_loop3A_102 step %parallel_loop3A_103  : i32 {
        %parallel_loop3A_146 = arith.constant 16 : i32
        %parallel_loop3A_147 = arith.muli %parallel_loop3A_145, %parallel_loop3A_146 : i32
        %parallel_loop3A_148 = arith.index_cast %parallel_loop3A_147 : i32 to index
        %parallel_loop3A_149 = tpu.vector_load %arg5[%parallel_loop3A_148] {strides = array<i32>} : memref<4096xi32, #tpu.memory_space<vmem>>, vector<16xi32>,
        %parallel_loop3A_150 = arith.constant 0 : i32
        %parallel_loop3A_151 = vector.broadcast %parallel_loop3A_150 : i32 to vector<16xi32>
        %parallel_loop3A_152 = arith.addi %parallel_loop3A_149, %parallel_loop3A_151 : vector<16xi32>
        %parallel_loop3A_153 = tpu.vector_load_idx %arg8[%parallel_loop3A_152] : memref<8192xf32, #tpu.memory_space<vmem>>[vector<16xi32>], vector<16xf32>,
        %parallel_loop3A_154 = arith.constant 16 : i32
        %parallel_loop3A_155 = arith.muli %parallel_loop3A_145, %parallel_loop3A_154 : i32
        %parallel_loop3A_156 = arith.constant 0 : i32
        %parallel_loop3A_157 = arith.addi %parallel_loop3A_156, %parallel_loop3A_155 : i32
        %parallel_loop3A_158 = arith.index_cast %parallel_loop3A_157 : i32 to index
        %parallel_loop3A_159 = tpu.vector_load %arg12[%parallel_loop3A_158] {strides = array<i32>} : memref<8192xf32, #tpu.memory_space<vmem>>, vector<16xf32>,
        tpu.vector_store %arg12[%parallel_loop3A_158], %parallel_loop3A_153 {strides = array<i32>} : memref<8192xf32, #tpu.memory_space<vmem>>, vector<16xf32>,
        %parallel_loop3A_160 = arith.constant 4096 : i32
        %parallel_loop3A_161 = vector.broadcast %parallel_loop3A_160 : i32 to vector<16xi32>
        %parallel_loop3A_162 = arith.addi %parallel_loop3A_149, %parallel_loop3A_161 : vector<16xi32>
        %parallel_loop3A_163 = tpu.vector_load_idx %arg8[%parallel_loop3A_162] : memref<8192xf32, #tpu.memory_space<vmem>>[vector<16xi32>], vector<16xf32>,
        %parallel_loop3A_164 = arith.constant 16 : i32
        %parallel_loop3A_165 = arith.muli %parallel_loop3A_145, %parallel_loop3A_164 : i32
        %parallel_loop3A_166 = arith.constant 4096 : i32
        %parallel_loop3A_167 = arith.addi %parallel_loop3A_166, %parallel_loop3A_165 : i32
        %parallel_loop3A_168 = arith.index_cast %parallel_loop3A_167 : i32 to index
        %parallel_loop3A_169 = tpu.vector_load %arg12[%parallel_loop3A_168] {strides = array<i32>} : memref<8192xf32, #tpu.memory_space<vmem>>, vector<16xf32>,
        tpu.vector_store %arg12[%parallel_loop3A_168], %parallel_loop3A_163 {strides = array<i32>} : memref<8192xf32, #tpu.memory_space<vmem>>, vector<16xf32>,
      } {sc.loop_unroll_factor = 8 : i64, sc.parallel_access}
      %mul3A_104 = arith.constant 8192 : i32
      %mul3A_105 = arith.muli %add3A_93, %mul3A_104 : i32
      %add3A_106 = arith.addi %mul3A_4, %mul3A_105 : i32
      %dma_start3A_107 = tpu.memref_slice %arg4[%add3A_106] : memref<67108864xf32, #tpu.memory_space<hbm>> -> memref<8192xf32, #tpu.memory_space<hbm>>
      %dma_start3A_108 = tpu.memref_slice %arg4[%add3A_106] : memref<67108864xf32, #tpu.memory_space<hbm>> -> memref<8192xf32, #tpu.memory_space<hbm>>
      tpu.enqueue_dma source(%arg12 : memref<8192xf32, #tpu.memory_space<vmem>>) target(%dma_start3A_108 : memref<8192xf32, #tpu.memory_space<hbm>>) target_semaphore(%arg20 : memref<!tpu.dma_semaphore, #tpu.memory_space<semaphore_mem>>)
      %add3A_109 = arith.constant 4 : i32
      %add3A_110 = arith.addi %add3A_93, %add3A_109 : i32
      %min3A_111 = arith.constant 255 : i32
      %min3A_112 = arith.minsi %add3A_110, %min3A_111 : i32
      %mul3A_113 = arith.constant 8192 : i32
      %mul3A_114 = arith.muli %min3A_112, %mul3A_113 : i32
      %add3A_115 = arith.addi %mul3A_4, %mul3A_114 : i32
      %dma_start3A_116 = tpu.memref_slice %arg2[%add3A_115] : memref<67108864xf32, #tpu.memory_space<hbm>> -> memref<8192xf32, #tpu.memory_space<hbm>>
      %dma_start3A_117 = tpu.memref_slice %arg2[%add3A_115] : memref<67108864xf32, #tpu.memory_space<hbm>> -> memref<8192xf32, #tpu.memory_space<hbm>>
      tpu.enqueue_dma source(%dma_start3A_117 : memref<8192xf32, #tpu.memory_space<hbm>>) target(%arg8 : memref<8192xf32, #tpu.memory_space<vmem>>) target_semaphore(%arg16 : memref<!tpu.dma_semaphore, #tpu.memory_space<semaphore_mem>>)
      %add3A_118 = arith.constant 3 : i32
      %add3A_119 = arith.addi %mul3A_44, %add3A_118 : i32
      %dma_wait3A_120 = tpu.memref_slice %arg2[%mul3A_4] : memref<67108864xf32, #tpu.memory_space<hbm>> -> memref<8192xf32, #tpu.memory_space<hbm>>
      %dma_wait3A_121 = tpu.memref_slice %arg2[%mul3A_4] : memref<67108864xf32, #tpu.memory_space<hbm>> -> memref<8192xf32, #tpu.memory_space<hbm>>
      tpu.wait_dma2 semaphore(%arg17 : memref<!tpu.dma_semaphore, #tpu.memory_space<semaphore_mem>>) src(%dma_wait3A_121 : memref<8192xf32, #tpu.memory_space<hbm>>) dst(%arg9 : memref<8192xf32, #tpu.memory_space<vmem>>)
      %gt3A_122 = arith.constant 0 : i32
      %gt3A_123 = arith.cmpi sgt, %mul3A_44, %gt3A_122 : i32
      %convert_element_type3A_124 = arith.extui %gt3A_123 : i1 to i32
      %cond3A_125 = arith.constant 0 : i32
      %cond3A_126 = arith.cmpi ne, %convert_element_type3A_124, %cond3A_125 : i32
      scf.if %cond3A_126 {
        %dma_wait3A_145 = tpu.memref_slice %arg4[%mul3A_4] : memref<67108864xf32, #tpu.memory_space<hbm>> -> memref<8192xf32, #tpu.memory_space<hbm>>
        %dma_wait3A_146 = tpu.memref_slice %arg4[%mul3A_4] : memref<67108864xf32, #tpu.memory_space<hbm>> -> memref<8192xf32, #tpu.memory_space<hbm>>
        tpu.wait_dma2 semaphore(%arg21 : memref<!tpu.dma_semaphore, #tpu.memory_space<semaphore_mem>>) src(%arg13 : memref<8192xf32, #tpu.memory_space<vmem>>) dst(%dma_wait3A_146 : memref<8192xf32, #tpu.memory_space<hbm>>)
      } else {
      }
      %parallel_loop3A_127 = arith.constant 0 : i32
      %parallel_loop3A_128 = arith.constant 256 : i32
      %parallel_loop3A_129 = arith.constant 1 : i32
      scf.for %parallel_loop3A_145 = %parallel_loop3A_127 to %parallel_loop3A_128 step %parallel_loop3A_129  : i32 {
        %parallel_loop3A_146 = arith.constant 16 : i32
        %parallel_loop3A_147 = arith.muli %parallel_loop3A_145, %parallel_loop3A_146 : i32
        %parallel_loop3A_148 = arith.index_cast %parallel_loop3A_147 : i32 to index
        %parallel_loop3A_149 = tpu.vector_load %arg5[%parallel_loop3A_148] {strides = array<i32>} : memref<4096xi32, #tpu.memory_space<vmem>>, vector<16xi32>,
        %parallel_loop3A_150 = arith.constant 0 : i32
        %parallel_loop3A_151 = vector.broadcast %parallel_loop3A_150 : i32 to vector<16xi32>
        %parallel_loop3A_152 = arith.addi %parallel_loop3A_149, %parallel_loop3A_151 : vector<16xi32>
        %parallel_loop3A_153 = tpu.vector_load_idx %arg9[%parallel_loop3A_152] : memref<8192xf32, #tpu.memory_space<vmem>>[vector<16xi32>], vector<16xf32>,
        %parallel_loop3A_154 = arith.constant 16 : i32
        %parallel_loop3A_155 = arith.muli %parallel_loop3A_145, %parallel_loop3A_154 : i32
        %parallel_loop3A_156 = arith.constant 0 : i32
        %parallel_loop3A_157 = arith.addi %parallel_loop3A_156, %parallel_loop3A_155 : i32
        %parallel_loop3A_158 = arith.index_cast %parallel_loop3A_157 : i32 to index
        %parallel_loop3A_159 = tpu.vector_load %arg13[%parallel_loop3A_158] {strides = array<i32>} : memref<8192xf32, #tpu.memory_space<vmem>>, vector<16xf32>,
        tpu.vector_store %arg13[%parallel_loop3A_158], %parallel_loop3A_153 {strides = array<i32>} : memref<8192xf32, #tpu.memory_space<vmem>>, vector<16xf32>,
        %parallel_loop3A_160 = arith.constant 4096 : i32
        %parallel_loop3A_161 = vector.broadcast %parallel_loop3A_160 : i32 to vector<16xi32>
        %parallel_loop3A_162 = arith.addi %parallel_loop3A_149, %parallel_loop3A_161 : vector<16xi32>
        %parallel_loop3A_163 = tpu.vector_load_idx %arg9[%parallel_loop3A_162] : memref<8192xf32, #tpu.memory_space<vmem>>[vector<16xi32>], vector<16xf32>,
        %parallel_loop3A_164 = arith.constant 16 : i32
        %parallel_loop3A_165 = arith.muli %parallel_loop3A_145, %parallel_loop3A_164 : i32
        %parallel_loop3A_166 = arith.constant 4096 : i32
        %parallel_loop3A_167 = arith.addi %parallel_loop3A_166, %parallel_loop3A_165 : i32
        %parallel_loop3A_168 = arith.index_cast %parallel_loop3A_167 : i32 to index
        %parallel_loop3A_169 = tpu.vector_load %arg13[%parallel_loop3A_168] {strides = array<i32>} : memref<8192xf32, #tpu.memory_space<vmem>>, vector<16xf32>,
        tpu.vector_store %arg13[%parallel_loop3A_168], %parallel_loop3A_163 {strides = array<i32>} : memref<8192xf32, #tpu.memory_space<vmem>>, vector<16xf32>,
      } {sc.loop_unroll_factor = 8 : i64, sc.parallel_access}
      %mul3A_130 = arith.constant 8192 : i32
      %mul3A_131 = arith.muli %add3A_119, %mul3A_130 : i32
      %add3A_132 = arith.addi %mul3A_4, %mul3A_131 : i32
      %dma_start3A_133 = tpu.memref_slice %arg4[%add3A_132] : memref<67108864xf32, #tpu.memory_space<hbm>> -> memref<8192xf32, #tpu.memory_space<hbm>>
      %dma_start3A_134 = tpu.memref_slice %arg4[%add3A_132] : memref<67108864xf32, #tpu.memory_space<hbm>> -> memref<8192xf32, #tpu.memory_space<hbm>>
      tpu.enqueue_dma source(%arg13 : memref<8192xf32, #tpu.memory_space<vmem>>) target(%dma_start3A_134 : memref<8192xf32, #tpu.memory_space<hbm>>) target_semaphore(%arg21 : memref<!tpu.dma_semaphore, #tpu.memory_space<semaphore_mem>>)
      %add3A_135 = arith.constant 4 : i32
      %add3A_136 = arith.addi %add3A_119, %add3A_135 : i32
      %min3A_137 = arith.constant 255 : i32
      %min3A_138 = arith.minsi %add3A_136, %min3A_137 : i32
      %mul3A_139 = arith.constant 8192 : i32
      %mul3A_140 = arith.muli %min3A_138, %mul3A_139 : i32
      %add3A_141 = arith.addi %mul3A_4, %mul3A_140 : i32
      %dma_start3A_142 = tpu.memref_slice %arg2[%add3A_141] : memref<67108864xf32, #tpu.memory_space<hbm>> -> memref<8192xf32, #tpu.memory_space<hbm>>
      %dma_start3A_143 = tpu.memref_slice %arg2[%add3A_141] : memref<67108864xf32, #tpu.memory_space<hbm>> -> memref<8192xf32, #tpu.memory_space<hbm>>
      tpu.enqueue_dma source(%dma_start3A_143 : memref<8192xf32, #tpu.memory_space<hbm>>) target(%arg9 : memref<8192xf32, #tpu.memory_space<vmem>>) target_semaphore(%arg17 : memref<!tpu.dma_semaphore, #tpu.memory_space<semaphore_mem>>)
      %scan3A_144 = arith.constant 0 : i32
      scf.yield %scan3A_144 : i32
    }
    %scan3A_25 = arith.constant 64 : i32
    %dma_wait3A = tpu.memref_slice %arg2[%mul3A_4] : memref<67108864xf32, #tpu.memory_space<hbm>> -> memref<8192xf32, #tpu.memory_space<hbm>>
    %dma_wait3A_26 = tpu.memref_slice %arg2[%mul3A_4] : memref<67108864xf32, #tpu.memory_space<hbm>> -> memref<8192xf32, #tpu.memory_space<hbm>>
    tpu.wait_dma2 semaphore(%arg14 : memref<!tpu.dma_semaphore, #tpu.memory_space<semaphore_mem>>) src(%dma_wait3A_26 : memref<8192xf32, #tpu.memory_space<hbm>>) dst(%arg6 : memref<8192xf32, #tpu.memory_space<vmem>>)
    %dma_wait3A_27 = tpu.memref_slice %arg4[%mul3A_4] : memref<67108864xf32, #tpu.memory_space<hbm>> -> memref<8192xf32, #tpu.memory_space<hbm>>
    %dma_wait3A_28 = tpu.memref_slice %arg4[%mul3A_4] : memref<67108864xf32, #tpu.memory_space<hbm>> -> memref<8192xf32, #tpu.memory_space<hbm>>
    tpu.wait_dma2 semaphore(%arg18 : memref<!tpu.dma_semaphore, #tpu.memory_space<semaphore_mem>>) src(%arg10 : memref<8192xf32, #tpu.memory_space<vmem>>) dst(%dma_wait3A_28 : memref<8192xf32, #tpu.memory_space<hbm>>)
    %dma_wait3A_29 = tpu.memref_slice %arg2[%mul3A_4] : memref<67108864xf32, #tpu.memory_space<hbm>> -> memref<8192xf32, #tpu.memory_space<hbm>>
    %dma_wait3A_30 = tpu.memref_slice %arg2[%mul3A_4] : memref<67108864xf32, #tpu.memory_space<hbm>> -> memref<8192xf32, #tpu.memory_space<hbm>>
    tpu.wait_dma2 semaphore(%arg15 : memref<!tpu.dma_semaphore, #tpu.memory_space<semaphore_mem>>) src(%dma_wait3A_30 : memref<8192xf32, #tpu.memory_space<hbm>>) dst(%arg7 : memref<8192xf32, #tpu.memory_space<vmem>>)
    %dma_wait3A_31 = tpu.memref_slice %arg4[%mul3A_4] : memref<67108864xf32, #tpu.memory_space<hbm>> -> memref<8192xf32, #tpu.memory_space<hbm>>
    %dma_wait3A_32 = tpu.memref_slice %arg4[%mul3A_4] : memref<67108864xf32, #tpu.memory_space<hbm>> -> memref<8192xf32, #tpu.memory_space<hbm>>
    tpu.wait_dma2 semaphore(%arg19 : memref<!tpu.dma_semaphore, #tpu.memory_space<semaphore_mem>>) src(%arg11 : memref<8192xf32, #tpu.memory_space<vmem>>) dst(%dma_wait3A_32 : memref<8192xf32, #tpu.memory_space<hbm>>)
    %dma_wait3A_33 = tpu.memref_slice %arg2[%mul3A_4] : memref<67108864xf32, #tpu.memory_space<hbm>> -> memref<8192xf32, #tpu.memory_space<hbm>>
    %dma_wait3A_34 = tpu.memref_slice %arg2[%mul3A_4] : memref<67108864xf32, #tpu.memory_space<hbm>> -> memref<8192xf32, #tpu.memory_space<hbm>>
    tpu.wait_dma2 semaphore(%arg16 : memref<!tpu.dma_semaphore, #tpu.memory_space<semaphore_mem>>) src(%dma_wait3A_34 : memref<8192xf32, #tpu.memory_space<hbm>>) dst(%arg8 : memref<8192xf32, #tpu.memory_space<vmem>>)
    %dma_wait3A_35 = tpu.memref_slice %arg4[%mul3A_4] : memref<67108864xf32, #tpu.memory_space<hbm>> -> memref<8192xf32, #tpu.memory_space<hbm>>
    %dma_wait3A_36 = tpu.memref_slice %arg4[%mul3A_4] : memref<67108864xf32, #tpu.memory_space<hbm>> -> memref<8192xf32, #tpu.memory_space<hbm>>
    tpu.wait_dma2 semaphore(%arg20 : memref<!tpu.dma_semaphore, #tpu.memory_space<semaphore_mem>>) src(%arg12 : memref<8192xf32, #tpu.memory_space<vmem>>) dst(%dma_wait3A_36 : memref<8192xf32, #tpu.memory_space<hbm>>)
    %dma_wait3A_37 = tpu.memref_slice %arg2[%mul3A_4] : memref<67108864xf32, #tpu.memory_space<hbm>> -> memref<8192xf32, #tpu.memory_space<hbm>>
    %dma_wait3A_38 = tpu.memref_slice %arg2[%mul3A_4] : memref<67108864xf32, #tpu.memory_space<hbm>> -> memref<8192xf32, #tpu.memory_space<hbm>>
    tpu.wait_dma2 semaphore(%arg17 : memref<!tpu.dma_semaphore, #tpu.memory_space<semaphore_mem>>) src(%dma_wait3A_38 : memref<8192xf32, #tpu.memory_space<hbm>>) dst(%arg9 : memref<8192xf32, #tpu.memory_space<vmem>>)
    %dma_wait3A_39 = tpu.memref_slice %arg4[%mul3A_4] : memref<67108864xf32, #tpu.memory_space<hbm>> -> memref<8192xf32, #tpu.memory_space<hbm>>
    %dma_wait3A_40 = tpu.memref_slice %arg4[%mul3A_4] : memref<67108864xf32, #tpu.memory_space<hbm>> -> memref<8192xf32, #tpu.memory_space<hbm>>
    tpu.wait_dma2 semaphore(%arg21 : memref<!tpu.dma_semaphore, #tpu.memory_space<semaphore_mem>>) src(%arg13 : memref<8192xf32, #tpu.memory_space<vmem>>) dst(%dma_wait3A_40 : memref<8192xf32, #tpu.memory_space<hbm>>)
    return
  }
}

</mosaic_0001>

<sc_bundles>
// kernel: kernel.3.cloned.1.call-start
scs
__scs_entry_jumppad:
0x0: {  	(pc) =	sbr.rel $0x88, $3  }
0x1: {  	(tag) =	ssettag $0x0;
	lr =	simm.s32 $0x1  }
0x2: {  	[smem:$0x3F9F] =	sst lr;
	_ =	strace $0xD0000000  }
0x3: {  	_ = 	snop  }
0x4: {  	_ = 	snop  }
0x5: {  	_ = 	snop  }
0x6: {  	_ = 	snop  }
0x7: {  	_ = 	snop  }
__scs_overlays_trampoline_lowered:
0x8: {  	[smem:$0x3FAE] =	sst s0  }
0x9: {  	[smem:$0x3FAF] =	sst s1  }
0xa: {  	[smem:$0x3FB0] =	sst s2  }
0xb: {  	[smem:$0x3FB1] =	sst s3  }
0xc: {  	[smem:$0x3FB2] =	sst s4  }
0xd: {  	[smem:$0x3FB3] =	sst s5  }
0xe: {  	[smem:$0x3FB4] =	sst s6  }
0xf: {  	[smem:$0x3FB5] =	sst s7  }
0x10: {  	[smem:$0x3FB6] =	sst s8  }
0x11: {  	[smem:$0x3FB7] =	sst s9;
	s0 =	simm.s32 @!p0 $0x0  }
0x12: {  	s1 =	sld [smem:$0x3F9D];
	s0 =	simm.s32 @p0 $0x1  }
0x13: {  	[smem:$0x3FB8] =	sst s0;
	s0 =	simm.s32 @!p1 $0x0  }
0x14: {  	s2 =	sld [smem:$0x3F9C];
	s0 =	simm.s32 @p1 $0x1  }
0x15: {  	[smem:$0x3FB9] =	sst s0;
	s0 =	simm.s32 @!p2 $0x0  }
0x16: {  	s3 =	sld [smem:$0x3FDB];
	s0 =	simm.s32 @p2 $0x1  }
0x17: {  	s4 =	simm.s32 $0x1BF5;
	[smem:$0x3FBB] =	sst s0  }
0x18: {  	s0 =	sld [smem:$0x3F9E];
	_ =	swait.ge [sflag:s4], $0x0  }
0x19: {  	s7 =	sld [smem:$0x3F9F]  }
0x1a: {  	s8 =	sadd.s32 $0xFFFFE003, lr  }
0x1b: {  	s9 =	sadd.s32 $0xFFFFFEF7, lr;
	s5 =	simm.s32 $0xFFFFFFFF;
	p2 =	slt.u32 s8, $0xFFFFF086  }
0x1c: {  	p1 =	slt.u32 s9, $0xF7A;
	s5 =	simm.s32 @!p2 $0x0  }
0x1d: {  	s5 =	simm.s32 @p1 $0x1;
	p0 =	seq.s32 s7, s2  }
0x1e: {  	s7 =	smul.u32 @!p0 $0xF7A, s2;
	p2 =	seq.s32 @!p0 s5, $0x0  }
0x1f: {  	s9 =	smul.u32 $0xF7A, s1;
	s8 =	simm.s32 @!p0 $0x1BF5;
	p2 =	por !p2, p0  }
0x20: {  	[sflag:s8] =	ssyncset.s32 @!p0 $0xFFFFF086;
	s6 =	sadd.s32 @!p0 s3, s7;
	s7 =	simm.s32 @!p0 $0x108  }
0x21: {  	s3 =	sadd.s32 s3, s9;
	s6 =	sadd.s32 @!p0 $0x88, s6;
	s7 =	simm.s32 @p2 $0x1082  }
0x22: {  	[simem:s7], [sflag:s8] =	dma.local @!p0 [hbm:s6], $0xF7A  }
0x23: {  	s9 =	sor.u32 $0xD0000000, s2;
	s6 =	simm.s32 $0x108;
	_ =	swait.ge @!p0 [sflag:s8], $0x0  }
0x24: {  	s3 =	sadd.s32 $0x88, s3;
	s6 =	simm.s32 @!p1 $0x1082;
	[sflag:s4] =	ssyncset.s32 $0xFFFFF086  }
0x25: {  	[simem:s6], [sflag:s4] =	dma.local [hbm:s3], $0xF7A  }
0x26: {  	[smem:$0x3F9F] =	sst s1;
	(tag) =	ssettag s2;
	_ =	strace s9  }
0x27: {  	s1 =	sld [smem:$0x3FAF]  }
0x28: {  	s2 =	sld [smem:$0x3FB0]  }
0x29: {  	s4 =	sld [smem:$0x3FB2]  }
0x2a: {  	p0 =	seq.s32 s5, $0x0;
	s5 =	sld [smem:$0x3FB3]  }
0x2b: {  	s6 =	sld [smem:$0x3FB4]  }
0x2c: {  	s7 =	sld [smem:$0x3FB5]  }
0x2d: {  	s3 =	simm.s32 $0x108;
	s8 =	sld [smem:$0x3FB6]  }
0x2e: {  	s3 =	simm.s32 @!p0 $0x1082;
	s9 =	sld [smem:$0x3FB7]  }
0x2f: {  	lr =	sadd.s32 s0, s3;
	s0 =	sld [smem:$0x3FAE]  }
0x30: {  	s3 =	sld [smem:$0x3FB1]  }
0x31: {  	[smem:$0x3FBA] =	sst s10  }
0x32: {  	s10 =	sld [smem:$0x3FB8];
	_ =	sdelay $0x3  }
0x33: {  	p0 =	seq.s32 s10, $0x1;
	s10 =	sld [smem:$0x3FBA];
	_ =	sdelay $0x3  }
0x34: {  	[smem:$0x3FBA] =	sst s10  }
0x35: {  	s10 =	sld [smem:$0x3FB9];
	_ =	sdelay $0x3  }
0x36: {  	p1 =	seq.s32 s10, $0x1;
	s10 =	sld [smem:$0x3FBA];
	_ =	sdelay $0x3  }
0x37: {  	[smem:$0x3FBA] =	sst s10  }
0x38: {  	s10 =	sld [smem:$0x3FBB]  }
0x39: {  	_ = 	snop;
	(pc) =	sbr.ind lr, $3  }
0x3a: {  	_ = 	snop  }
0x3b: {  	_ = 	snop  }
0x3c: {  	p2 =	seq.s32 s10, $0x1;
	s10 =	sld [smem:$0x3FBA]  }
0x3d: {  	_ =	shalt  }
0x3e: {  	_ =	shalt  }
0x3f: {  	_ =	shalt  }
0x40: {  	_ =	shalt  }
0x41: {  	_ =	shalt  }
0x42: {  	_ =	shalt  }
0x43: {  	_ =	shalt  }
0x44: {  	_ =	shalt  }
0x45: {  	_ =	shalt  }
0x46: {  	_ =	shalt  }
0x47: {  	_ =	shalt  }
0x48: {  	_ =	shalt  }
0x49: {  	_ =	shalt  }
0x4a: {  	_ =	shalt  }
0x4b: {  	_ =	shalt  }
0x4c: {  	_ =	shalt  }
0x4d: {  	_ =	shalt  }
0x4e: {  	_ =	shalt  }
0x4f: {  	_ =	shalt  }
0x50: {  	_ =	shalt  }
0x51: {  	_ =	shalt  }
0x52: {  	_ =	shalt  }
0x53: {  	_ =	shalt  }
0x54: {  	_ =	shalt  }
0x55: {  	_ =	shalt  }
0x56: {  	_ =	shalt  }
0x57: {  	_ =	shalt  }
0x58: {  	_ =	shalt  }
0x59: {  	_ =	shalt  }
0x5a: {  	_ =	shalt  }
0x5b: {  	_ =	shalt  }
0x5c: {  	_ =	shalt  }
0x5d: {  	_ =	shalt  }
0x5e: {  	_ =	shalt  }
0x5f: {  	_ =	shalt  }
0x60: {  	_ =	shalt  }
0x61: {  	_ =	shalt  }
0x62: {  	_ =	shalt  }
0x63: {  	_ =	shalt  }
0x64: {  	_ =	shalt  }
0x65: {  	_ =	shalt  }
0x66: {  	_ =	shalt  }
0x67: {  	_ =	shalt  }
0x68: {  	_ =	shalt  }
0x69: {  	_ =	shalt  }
0x6a: {  	_ =	shalt  }
0x6b: {  	_ =	shalt  }
0x6c: {  	_ =	shalt  }
0x6d: {  	_ =	shalt  }
0x6e: {  	_ =	shalt  }
0x6f: {  	_ =	shalt  }
0x70: {  	_ =	shalt  }
0x71: {  	_ =	shalt  }
0x72: {  	_ =	shalt  }
0x73: {  	_ =	shalt  }
0x74: {  	_ =	shalt  }
0x75: {  	_ =	shalt  }
0x76: {  	_ =	shalt  }
0x77: {  	_ =	shalt  }
0x78: {  	_ =	shalt  }
0x79: {  	_ =	shalt  }
0x7a: {  	_ =	shalt  }
0x7b: {  	_ =	shalt  }
0x7c: {  	_ =	shalt  }
0x7d: {  	_ =	shalt  }
0x7e: {  	_ =	shalt  }
0x7f: {  	_ =	shalt  }
0x80: {  	_ =	shalt  }
0x81: {  	_ =	shalt  }
0x82: {  	_ =	shalt  }
0x83: {  	_ =	shalt  }
0x84: {  	_ =	shalt  }
0x85: {  	_ =	shalt  }
0x86: {  	_ =	shalt  }
0x87: {  	_ =	shalt  }
.Lfunc_end0:
.L_simem_size_0:
called_computation.1_lowered:
.L_overlay_start_0:
0x88: {  	s2 =	sld [smem:$0x3FD9]  }
0x89: {  	s3 =	sld [smem:$0x3FFE];
	_ =	sdelay $0x1  }
0x8a: {  	s1 =	srdreg.scid  }
0x8b: {  	s0 =	sand.u32 $0x1, s1  }
0x8c: {  	s17 =	sshll.u32 s0, $0xA;
	s2 =	sadd.s32 s3, s2  }
0x8d: {  	s2 =	sadd.s32 s2, s17  }
0x8e: {  	[smem:$0x3FC6] =	sst s2  }
0x8f: {  	_ = 	snop  }
0x90: {  	s2 =	sld [smem:$0x3FC8]  }
0x91: {  	s18 =	sld [smem:$0x3FD0];
	(tm) =	ssettm $0x1  }
0x92: {  	s4 =	sld [smem:$0x3FFB];
	_ =	sdelay $0x3  }
0x93: {  	_ =	strace s4  }
0x94: {  	s4 =	sld [smem:$0x3FFC];
	_ =	sdelay $0x3  }
0x95: {  	_ =	strace s4  }
0x96: {  	s4 =	sld [smem:$0x3FFD];
	_ =	sdelay $0x3  }
0x97: {  	_ =	strace s4  }
0x98: {  	_ =	strace $0x8FFFFFFF  }
0x99: {  	s19 =	sld [smem:$0x3FDB];
	_ =	sdelay $0x1  }
0x9a: {  	s5 =	simm.s32 $_scs_section_size  }
0x9b: {  	s6 =	simm.s32 $_size__tile_overlayer_lowered;
	s7 =	simm.s32 $_tile_overlayer_lowered  }
0x9c: {  	s22 =	simm.s32 $0x1BFF;
	s21 =	sshll.u32 s7, $0x1;
	s4 =	sadd.s32 s5, s19  }
0x9d: {  	s8 =	simm.s32 $0x0;
	s20 =	sshll.u32 s6, $0x1;
	s6 =	sadd.s32 s21, s4  }
0x9e: {  	[timem:s8], [sflag:s22] =	dma.local [hbm:s6], s20  }
0x9f: {  	_ =	swait.ge [sflag:s22], s20  }
0xa0: {  	s5 =	ssub.s32 $0x0, s20;
	[sflag:s22] =	ssyncset.done $0x0  }
0xa1: {  	[sflag:s22] =	ssyncadd.s32 s5;
	_ =	sdelay $0x1  }
0xa2: {  	s23 =	simm.s32 $0x1B8B  }
0xa3: {  	_ =	swait.ge [sflag:s23], $0x1  }
0xa4: {  	[sflag:s23] =	ssyncset.done $0x0  }
0xa5: {  	s25 =	simm.s32 $0x1B8E;
	s24 =	sld [smem:$0x3FFE];
	[sflag:s23] =	ssyncadd.s32 $0xFFFFFFFF  }
0xa6: {  	s26 =	simm.s32 $execute0_lowered;
	[smem:$0x3FD2] =	sst s25  }
0xa7: {  	s6 =	sshll.u32 s26, $0x1;
	_ =	strace $0x80000049;
	[dreg:$0x1] =	wrdreg $0xFFFFFFFF  }
0xa8: {  	s28 =	simm.s32 $_size_execute0_lowered;
	s4 =	sadd.s32 s4, s6;
	[dreg:$0x0] =	wrdreg $0x0  }
0xa9: {  	s6 =	sshll.u32 s28, $0x1;
	[dreg:$0x2] =	wrdreg s4  }
0xaa: {  	[dreg:$0x3] =	wrdreg s6  }
0xab: {  	[dreg:$0x4] =	wrdreg $0xC0  }
0xac: {  	_ =	task [dreg:s8], $0x5FFFF  }
0xad: {  	[dreg:$0x1] =	wrdreg $0xFFFFFFFF  }
0xae: {  	[dreg:$0x0] =	wrdreg $0x60  }
0xaf: {  	[dreg:$0x2] =	wrdreg s18  }
0xb0: {  	[dreg:$0x3] =	wrdreg s2  }
0xb1: {  	[dreg:$0x4] =	wrdreg s24  }
0xb2: {  	[dreg:$0x5] =	wrdreg $0x9  }
0xb3: {  	_ =	task.clear_ibuf [dreg:s8], $0x6FFFF;
	_ =	strace $0x90000049  }
0xb4: {  	s29 =	simm.s32 $0x9;
	_ =	strace $0x8000004B  }
0xb5: {  	_ =	swait.ge [sflag:s29], $0x1  }
0xb6: {  	[sflag:s29] =	ssyncadd.s32 $0xFFFFFFFF  }
0xb7: {  	_ =	strace $0x9000004B  }
0xb8: {  	_ =	sfence  }
0xb9: {  	s30 =	sld [smem:$0x0];
	_ =	sdelay $0x2  }
0xba: {  	s31 =	sshll.u32 s1, $0xD;
	s1 =	sshrl.u32 s1, $0x2  }
0xbb: {  	s3 =	sand.u32 $0x4000, s31;
	s1 =	sadd.s32 s1, s30  }
0xbc: {  	s0 =	sor.u32 s3, s0;
	s1 =	sshll.u32 s1, $0x11  }
0xbd: {  	s0 =	sor.u32 s1, s0  }
0xbe: {  	s0 =	sadd.s32 $0x8F2B, s0  }
0xbf: {  	[sflag:s0] =	ssyncadd.remote.s32 $0x1  }
0xc0: {  	_ =	sfence.sel $0xFFFF  }
0xc1: {  	[dreg:$0x0] =	wrdreg $0xFFFFFFFF;
	(pc) =	sbr.abs _section_cstart, $3  }
0xc2: {  	[dreg:$0x1] =	wrdreg $0xFFFFFFFF  }
0xc3: {  	_ =	task.clear_ibuf [dreg:s8], $0x2FFFF;
	_ =	strace $0x9FFFFFFF  }
0xc4: {  	(tm) =	ssettm $0x7FFFFFFF  }
0xc5: {  	_ =	shalt  }
tec
execute0_lowered:
.L_overlay_start_1:
0x0: {  	(tag) =	ssettag $0x1  }
0x1: {  	s1 =	rddreg [dreg:$0x0]  }
0x2: {  	s0 =	rddreg [dreg:$0x2]  }
0x3: {  	s2 =	srdreg.scid;
	s3 =	stileid.u32;
	s4 =	simm.s32 $0x0  }
0x4: {  	s17 =	simm.s32 $0x1000;
	s18 =	simm.s32 $0x3000;
	s19 =	simm.s32 $0x5000  }
0x5: {  	s20 =	simm.s32 $0x7000;
	s21 =	simm.s32 $0x1;
	s22 =	simm.s32 $0x9000  }
0x6: {  	s28 =	simm.s32 $0x4;
	s29 =	simm.s32 $0xF000;
	s30 =	simm.s32 $0x5  }
0x7: {  	s31 =	simm.s32 $0x6;
	s2 =	sand.u32 $0x1, s2;
	s3 =	sshll.u32 s3, $0x16  }
0x8: {  	[smem:$0x7FF] =	sst s4;
	s5 =	sshll.u32 s2, $0x15;
	s2 =	ssub.s32 $0x2, s2  }
0x9: {  	s6 =	sadd.s32 $0x800, s0;
	s5 =	sor.u32 s5, s3;
	s23 =	sshrl.u32 s2, $0x1  }
0xa: {  	_ =	strace $0x8000004A;
	s3 =	sshrl.u32 s5, $0x3;
	s0 =	ssub.s32 s2, s23  }
0xb: {  	s11 =	sor.u32 $0x8000, s5;
	s12 =	sor.u32 $0xA000, s5;
	s3 =	sadd.s32 s1, s3  }
0xc: {  	s13 =	sor.u32 $0xC000, s5;
	s0 =	smax.u32 s0, $0x1;
	[dreg:$0x4] =	wrdreg s3  }
0xd: {  	s14 =	sor.u32 $0xE000, s5;
	s24 =	sadd.s32 $0x400, s3;
	[dreg:$0x8] =	wrdreg s0  }
0xe: {  	s23 =	simm.s32 $0x2;
	s25 =	sadd.s32 $0x800, s3;
	[dreg:$0x5] =	wrdreg s24  }
0xf: {  	s2 =	simm.s32 $0x8;
	s26 =	sadd.s32 $0xC00, s3;
	[dreg:$0x6] =	wrdreg s25  }
0x10: {  	s0 =	simm.s32 $0x7;
	s3 =	simm.s32 $0x0;
	[dreg:$0x7] =	wrdreg s26  }
0x11: {  	s24 =	simm.s32 $0xB000;
	s25 =	simm.s32 $0x3;
	s26 =	simm.s32 $0xD000  }
.LBB2_1:
0x12: {  	s7 =	rddreg [dreg:$0x1];
	s8 =	simm.s32 $0x9  }
0x13: {  	[tilespmem:s4], [sflag:$0x9] =	stream.linear.gather [hbm4b:s7+s4], $0x1000, $0x38;
	[tilespmem:$0x11000] =	vst v63  }
0x14: {  	_ =	swait.ge [sflag:s8], $0x1000  }
0x15: {  	[sflag:s8] =	ssyncset.done $0x0  }
0x16: {  	s9 =	rddreg [dreg:$0x4];
	[sflag:s8] =	ssyncadd.s32 $0xFFFFF000  }
0x17: {  	[tilespmem:s17], [sflag:$0x1] =	stream.linear.gather [hbm4b:s9+s4], $0x2000, $0x38;
	[tilespmem:$0x11000] =	vst v63  }
0x18: {  	s10 =	rddreg [dreg:$0x5]  }
0x19: {  	[tilespmem:s18], [sflag:$0x2] =	stream.linear.gather [hbm4b:s10+s4], $0x2000, $0x38;
	[tilespmem:$0x11000] =	vst v63  }
0x1a: {  	s15 =	rddreg [dreg:$0x6]  }
0x1b: {  	[tilespmem:s19], [sflag:$0x3] =	stream.linear.gather [hbm4b:s15+s4], $0x2000, $0x38;
	[tilespmem:$0x11000] =	vst v63  }
0x1c: {  	s16 =	rddreg [dreg:$0x7];
	s8 =	simm.s32 $0x0  }
0x1d: {  	[tilespmem:s20], [sflag:$0x4] =	stream.linear.gather [hbm4b:s16+s4], $0x2000, $0x38;
	[tilespmem:$0x11000] =	vst v63  }
.LBB2_2:
0x1e: {  	_ =	swait.ge [sflag:s21], $0x2000  }
0x1f: {  	p0 =	seq.s32 s8, $0x0;
	[sflag:s21] =	ssyncset.done $0x0  }
0x20: {  	s7 =	simm.s32 @!p0 $0x5;
	[sflag:s21] =	ssyncadd.s32 $0xFFFFE000  }
0x21: {  	_ =	swait.ge @!p0 [sflag:s7], $0x2000  }
0x22: {  	[sflag:s7] =	ssyncset.done @!p0 $0x0  }
0x23: {  	s16 =	simm.s32 $0x40;
	[sflag:s7] =	ssyncadd.s32 @!p0 $0xFFFFE000  }
0x24: {  	v0 =	vld [tilespmem:s16+$0x30]  }
0x25: {  	v1 =	vld [tilespmem:s16+$0xFFFFFFD0]  }
0x26: {  	v2 =	vld [tilespmem:s16+$0xFFFFFFE0]  }
0x27: {  	v3 =	vld [tilespmem:s16+$0xFFFFFFF0]  }
0x28: {  	v4 =	vld [tilespmem:s16+$0x0]  }
0x29: {  	v5 =	vld [tilespmem:s16+$0x10]  }
0x2a: {  	v6 =	vld [tilespmem:s16+$0x20]  }
0x2b: {  	v7 =	vld [tilespmem:s16+$0xFFFFFFC0]  }
0x2c: {  	v8 =	vld.idx.msk [tilespmem:v0+s17+$0x0], $0xffff  }
0x2d: {  	v9 =	vld.idx.msk [tilespmem:v1+s17+$0x0], $0xffff  }
0x2e: {  	v10 =	vld.idx.msk [tilespmem:v2+s17+$0x0], $0xffff  }
0x2f: {  	v0 =	vadd.s32 $0x1000, v0;
	v11 =	vld.idx.msk [tilespmem:v3+s17+$0x0], $0xffff  }
0x30: {  	v1 =	vadd.s32 $0x1000, v1;
	v12 =	vld.idx.msk [tilespmem:v4+s17+$0x0], $0xffff  }
0x31: {  	s15 =	simm.s32 $0xA000;
	v2 =	vadd.s32 $0x1000, v2;
	v13 =	vld.idx.msk [tilespmem:v5+s17+$0x0], $0xffff  }
0x32: {  	v3 =	vadd.s32 $0x1000, v3;
	v14 =	vld.idx.msk [tilespmem:v6+s17+$0x0], $0xffff;
	[tilespmem:s15+$0xFFFFF070] =	vst v8  }
0x33: {  	v4 =	vadd.s32 $0x1000, v4;
	v62 =	vld.idx.msk [tilespmem:v7+s17+$0x0], $0xffff;
	[tilespmem:s15+$0xFFFFF010] =	vst v9  }
0x34: {  	v5 =	vadd.s32 $0x1000, v5;
	[tilespmem:s15+$0xFFFFF020] =	vst v10;
	v8 =	vld.idx.msk [tilespmem:v0+s17+$0x0], $0xffff  }
0x35: {  	v6 =	vadd.s32 $0x1000, v6;
	[tilespmem:s15+$0xFFFFF030] =	vst v11;
	v63 =	vld.idx.msk [tilespmem:v1+s17+$0x0], $0xffff  }
0x36: {  	v7 =	vadd.s32 $0x1000, v7;
	[tilespmem:s15+$0xFFFFF040] =	vst v12;
	v0 =	vld.idx.msk [tilespmem:v2+s17+$0x0], $0xffff  }
0x37: {  	[tilespmem:s15+$0xFFFFF050] =	vst v13;
	v1 =	vld.idx.msk [tilespmem:v3+s17+$0x0], $0xffff  }
0x38: {  	[tilespmem:s15+$0xFFFFF060] =	vst v14;
	v2 =	vld.idx.msk [tilespmem:v4+s17+$0x0], $0xffff  }
0x39: {  	[tilespmem:s15+$0xFFFFF000] =	vst v62;
	v3 =	vld.idx.msk [tilespmem:v5+s17+$0x0], $0xffff  }
0x3a: {  	v4 =	vld.idx.msk [tilespmem:v6+s17+$0x0], $0xffff;
	[tilespmem:s15+$0x70] =	vst v8  }
0x3b: {  	s9 =	sshll.u32 s8, $0x2;
	s10 =	simm.s32 $0x0;
	s7 =	simm.s32 $0xC0;
	v5 =	vld.idx.msk [tilespmem:v7+s17+$0x0], $0xffff;
	[tilespmem:s15+$0x10] =	vst v63  }
.LBB2_3:
0x3c: {  	v6 =	vld [tilespmem:s7+$0x30];
	s10 =	sadd.s32 $0x8, s10;
	[tilespmem:s15+$0x20] =	vst v0  }
0x3d: {  	v0 =	vld [tilespmem:s7+$0xFFFFFFD0];
	p1 =	slt.u32 s10, $0xF8;
	[tilespmem:s15+$0x30] =	vst v1  }
0x3e: {  	v1 =	vld [tilespmem:s7+$0xFFFFFFE0];
	[tilespmem:s15+$0x40] =	vst v2  }
0x3f: {  	v2 =	vld [tilespmem:s7+$0xFFFFFFF0];
	[tilespmem:s15+$0x50] =	vst v3  }
0x40: {  	v3 =	vld [tilespmem:s7+$0x0];
	[tilespmem:s15+$0x60] =	vst v4  }
0x41: {  	v4 =	vld [tilespmem:s7+$0x10];
	[tilespmem:s15+$0x0] =	vst v5  }
0x42: {  	v5 =	vadd.s32 $0x1000, v0;
	v7 =	vld [tilespmem:s7+$0x20]  }
0x43: {  	v8 =	vld [tilespmem:s7+$0xFFFFFFC0];
	v9 =	vadd.s32 $0x1000, v1  }
0x44: {  	v10 =	vadd.s32 $0x1000, v2;
	v11 =	vld.idx.msk [tilespmem:v6+s17+$0x0], $0xffff  }
0x45: {  	v0 =	vld.idx.msk [tilespmem:v0+s17+$0x0], $0xffff;
	v12 =	vadd.s32 $0x1000, v3  }
0x46: {  	v6 =	vadd.s32 $0x1000, v6;
	v1 =	vld.idx.msk [tilespmem:v1+s17+$0x0], $0xffff;
	v13 =	vadd.s32 $0x1000, v4  }
0x47: {  	v2 =	vld.idx.msk [tilespmem:v2+s17+$0x0], $0xffff;
	v14 =	vadd.s32 $0x1000, v7  }
0x48: {  	v15 =	vadd.s32 $0x1000, v8;
	v3 =	vld.idx.msk [tilespmem:v3+s17+$0x0], $0xffff  }
0x49: {  	s15 =	sadd.s32 $0x80, s15;
	v4 =	vld.idx.msk [tilespmem:v4+s17+$0x0], $0xffff  }
0x4a: {  	v7 =	vld.idx.msk [tilespmem:v7+s17+$0x0], $0xffff;
	[tilespmem:s15+$0xFFFFF070] =	vst v11  }
0x4b: {  	[tilespmem:s15+$0xFFFFF010] =	vst v0;
	v6 =	vld.idx.msk [tilespmem:v6+s17+$0x0], $0xffff  }
0x4c: {  	v8 =	vld.idx.msk [tilespmem:v8+s17+$0x0], $0xffff;
	[tilespmem:s15+$0xFFFFF020] =	vst v1  }
0x4d: {  	v11 =	vld.idx.msk [tilespmem:v5+s17+$0x0], $0xffff;
	[tilespmem:s15+$0xFFFFF030] =	vst v2  }
0x4e: {  	v0 =	vld.idx.msk [tilespmem:v9+s17+$0x0], $0xffff;
	[tilespmem:s15+$0xFFFFF040] =	vst v3  }
.Ltmp0:
0x4f: {  	v1 =	vld.idx.msk [tilespmem:v10+s17+$0x0], $0xffff;
	[tilespmem:s15+$0xFFFFF050] =	vst v4;
	(pc) =	sbr.rel @p1 .LBB2_3-.Ltmp0, $4  }
0x50: {  	v2 =	vld.idx.msk [tilespmem:v12+s17+$0x0], $0xffff;
	[tilespmem:s15+$0xFFFFF060] =	vst v7  }
0x51: {  	v3 =	vld.idx.msk [tilespmem:v13+s17+$0x0], $0xffff;
	[tilespmem:s15+$0x70] =	vst v6  }
0x52: {  	[tilespmem:s15+$0xFFFFF000] =	vst v8;
	v4 =	vld.idx.msk [tilespmem:v14+s17+$0x0], $0xffff  }
0x53: {  	s7 =	sadd.s32 $0x80, s7;
	v5 =	vld.idx.msk [tilespmem:v15+s17+$0x0], $0xffff;
	[tilespmem:s15+$0x10] =	vst v11  }
0x54: {  	[tilespmem:s15+$0x20] =	vst v0  }
0x55: {  	[tilespmem:s15+$0x30] =	vst v1  }
0x56: {  	s7 =	sshll.u32 s8, $0xF;
	[tilespmem:s15+$0x40] =	vst v2  }
0x57: {  	s7 =	sor.u32 s5, s7;
	[tilespmem:s15+$0x50] =	vst v3  }
0x58: {  	s10 =	sshrl.u32 s7, $0x3;
	[tilespmem:s15+$0x60] =	vst v4  }
0x59: {  	s7 =	sadd.s32 s6, s10;
	[tilespmem:s15+$0x0] =	vst v5;
	s15 =	smin.u32 s9, $0xFB  }
0x5a: {  	[hbm4b:s7+s4] =	stream.linear.scatter [tilespmem:s22], [sflag:$0x5], $0x2000, $0x38;
	[tilespmem:$0x11000] =	vst v63  }
0x5b: {  	s7 =	sshll.u32 s15, $0xD  }
0x5c: {  	s7 =	sadd.s32 s7, s11  }
0x5d: {  	s7 =	sshrl.u32 s7, $0x3  }
0x5e: {  	s7 =	sadd.s32 s1, s7  }
0x5f: {  	[tilespmem:s17], [sflag:$0x1] =	stream.linear.gather [hbm4b:s7+s4], $0x2000, $0x38;
	[tilespmem:$0x11000] =	vst v63  }
0x60: {  	_ =	swait.ge [sflag:s23], $0x2000  }
0x61: {  	[sflag:s23] =	ssyncset.done $0x0  }
0x62: {  	s7 =	simm.s32 @!p0 $0x6;
	[sflag:s23] =	ssyncadd.s32 $0xFFFFE000  }
0x63: {  	_ =	swait.ge @!p0 [sflag:s7], $0x2000  }
0x64: {  	[sflag:s7] =	ssyncset.done @!p0 $0x0  }
0x65: {  	s16 =	simm.s32 $0x40;
	[sflag:s7] =	ssyncadd.s32 @!p0 $0xFFFFE000  }
0x66: {  	v0 =	vld [tilespmem:s16+$0x30]  }
0x67: {  	v1 =	vld [tilespmem:s16+$0xFFFFFFD0]  }
0x68: {  	v2 =	vld [tilespmem:s16+$0xFFFFFFE0]  }
0x69: {  	v3 =	vld [tilespmem:s16+$0xFFFFFFF0]  }
0x6a: {  	v4 =	vld [tilespmem:s16+$0x0]  }
0x6b: {  	v5 =	vld [tilespmem:s16+$0x10]  }
0x6c: {  	v6 =	vld [tilespmem:s16+$0x20]  }
0x6d: {  	v7 =	vld [tilespmem:s16+$0xFFFFFFC0]  }
0x6e: {  	v8 =	vld.idx.msk [tilespmem:v0+s18+$0x0], $0xffff  }
0x6f: {  	v9 =	vld.idx.msk [tilespmem:v1+s18+$0x0], $0xffff  }
0x70: {  	v10 =	vld.idx.msk [tilespmem:v2+s18+$0x0], $0xffff  }
0x71: {  	v0 =	vadd.s32 $0x1000, v0;
	v11 =	vld.idx.msk [tilespmem:v3+s18+$0x0], $0xffff  }
0x72: {  	v1 =	vadd.s32 $0x1000, v1;
	v12 =	vld.idx.msk [tilespmem:v4+s18+$0x0], $0xffff  }
0x73: {  	s15 =	simm.s32 $0xC000;
	v2 =	vadd.s32 $0x1000, v2;
	v13 =	vld.idx.msk [tilespmem:v5+s18+$0x0], $0xffff  }
0x74: {  	v3 =	vadd.s32 $0x1000, v3;
	v14 =	vld.idx.msk [tilespmem:v6+s18+$0x0], $0xffff;
	[tilespmem:s15+$0xFFFFF070] =	vst v8  }
0x75: {  	v4 =	vadd.s32 $0x1000, v4;
	v62 =	vld.idx.msk [tilespmem:v7+s18+$0x0], $0xffff;
	[tilespmem:s15+$0xFFFFF010] =	vst v9  }
0x76: {  	v5 =	vadd.s32 $0x1000, v5;
	[tilespmem:s15+$0xFFFFF020] =	vst v10;
	v8 =	vld.idx.msk [tilespmem:v0+s18+$0x0], $0xffff  }
0x77: {  	v6 =	vadd.s32 $0x1000, v6;
	[tilespmem:s15+$0xFFFFF030] =	vst v11;
	v63 =	vld.idx.msk [tilespmem:v1+s18+$0x0], $0xffff  }
0x78: {  	v7 =	vadd.s32 $0x1000, v7;
	[tilespmem:s15+$0xFFFFF040] =	vst v12;
	v0 =	vld.idx.msk [tilespmem:v2+s18+$0x0], $0xffff  }
0x79: {  	[tilespmem:s15+$0xFFFFF050] =	vst v13;
	v1 =	vld.idx.msk [tilespmem:v3+s18+$0x0], $0xffff  }
0x7a: {  	[tilespmem:s15+$0xFFFFF060] =	vst v14;
	v2 =	vld.idx.msk [tilespmem:v4+s18+$0x0], $0xffff  }
0x7b: {  	[tilespmem:s15+$0xFFFFF000] =	vst v62;
	v3 =	vld.idx.msk [tilespmem:v5+s18+$0x0], $0xffff  }
0x7c: {  	v5 =	vld.idx.msk [tilespmem:v6+s18+$0x0], $0xffff;
	[tilespmem:s15+$0x70] =	vst v8  }
0x7d: {  	s7 =	simm.s32 $0x0;
	s16 =	simm.s32 $0xC0;
	v4 =	vld.idx.msk [tilespmem:v7+s18+$0x0], $0xffff;
	[tilespmem:s15+$0x10] =	vst v63  }
.LBB2_5:
0x7e: {  	v6 =	vld [tilespmem:s16+$0x30];
	s7 =	sadd.s32 $0x8, s7;
	[tilespmem:s15+$0x20] =	vst v0  }
0x7f: {  	v0 =	vld [tilespmem:s16+$0xFFFFFFD0];
	p1 =	slt.u32 s7, $0xF8;
	[tilespmem:s15+$0x30] =	vst v1  }
0x80: {  	v1 =	vld [tilespmem:s16+$0xFFFFFFE0];
	[tilespmem:s15+$0x40] =	vst v2  }
0x81: {  	v2 =	vld [tilespmem:s16+$0xFFFFFFF0];
	[tilespmem:s15+$0x50] =	vst v3  }
0x82: {  	v3 =	vld [tilespmem:s16+$0x0];
	[tilespmem:s15+$0x60] =	vst v5  }
0x83: {  	v5 =	vld [tilespmem:s16+$0x10];
	[tilespmem:s15+$0x0] =	vst v4  }
0x84: {  	v4 =	vadd.s32 $0x1000, v0;
	v7 =	vld [tilespmem:s16+$0x20]  }
0x85: {  	v8 =	vld [tilespmem:s16+$0xFFFFFFC0];
	v9 =	vadd.s32 $0x1000, v1  }
0x86: {  	v10 =	vadd.s32 $0x1000, v2;
	v11 =	vld.idx.msk [tilespmem:v6+s18+$0x0], $0xffff  }
0x87: {  	v0 =	vld.idx.msk [tilespmem:v0+s18+$0x0], $0xffff;
	v12 =	vadd.s32 $0x1000, v3  }
0x88: {  	v6 =	vadd.s32 $0x1000, v6;
	v1 =	vld.idx.msk [tilespmem:v1+s18+$0x0], $0xffff;
	v13 =	vadd.s32 $0x1000, v5  }
0x89: {  	v2 =	vld.idx.msk [tilespmem:v2+s18+$0x0], $0xffff;
	v14 =	vadd.s32 $0x1000, v7  }
0x8a: {  	v15 =	vadd.s32 $0x1000, v8;
	v3 =	vld.idx.msk [tilespmem:v3+s18+$0x0], $0xffff  }
0x8b: {  	s15 =	sadd.s32 $0x80, s15;
	v5 =	vld.idx.msk [tilespmem:v5+s18+$0x0], $0xffff  }
0x8c: {  	v7 =	vld.idx.msk [tilespmem:v7+s18+$0x0], $0xffff;
	[tilespmem:s15+$0xFFFFF070] =	vst v11  }
0x8d: {  	[tilespmem:s15+$0xFFFFF010] =	vst v0;
	v6 =	vld.idx.msk [tilespmem:v6+s18+$0x0], $0xffff  }
0x8e: {  	v8 =	vld.idx.msk [tilespmem:v8+s18+$0x0], $0xffff;
	[tilespmem:s15+$0xFFFFF020] =	vst v1  }
0x8f: {  	v11 =	vld.idx.msk [tilespmem:v4+s18+$0x0], $0xffff;
	[tilespmem:s15+$0xFFFFF030] =	vst v2  }
0x90: {  	v0 =	vld.idx.msk [tilespmem:v9+s18+$0x0], $0xffff;
	[tilespmem:s15+$0xFFFFF040] =	vst v3  }
.Ltmp1:
0x91: {  	v1 =	vld.idx.msk [tilespmem:v10+s18+$0x0], $0xffff;
	[tilespmem:s15+$0xFFFFF050] =	vst v5;
	(pc) =	sbr.rel @p1 .LBB2_5-.Ltmp1, $4  }
0x92: {  	v2 =	vld.idx.msk [tilespmem:v12+s18+$0x0], $0xffff;
	[tilespmem:s15+$0xFFFFF060] =	vst v7  }
0x93: {  	v3 =	vld.idx.msk [tilespmem:v13+s18+$0x0], $0xffff;
	[tilespmem:s15+$0x70] =	vst v6  }
0x94: {  	[tilespmem:s15+$0xFFFFF000] =	vst v8;
	v5 =	vld.idx.msk [tilespmem:v14+s18+$0x0], $0xffff  }
0x95: {  	s16 =	sadd.s32 $0x80, s16;
	v4 =	vld.idx.msk [tilespmem:v15+s18+$0x0], $0xffff;
	[tilespmem:s15+$0x10] =	vst v11  }
0x96: {  	[tilespmem:s15+$0x20] =	vst v0  }
0x97: {  	[tilespmem:s15+$0x30] =	vst v1  }
0x98: {  	[tilespmem:s15+$0x40] =	vst v2  }
0x99: {  	[tilespmem:s15+$0x50] =	vst v3  }
0x9a: {  	s10 =	sadd.s32 s10, s6;
	[tilespmem:s15+$0x60] =	vst v5  }
0x9b: {  	s7 =	sadd.s32 $0x400, s10;
	[tilespmem:s15+$0x0] =	vst v4;
	s15 =	smin.u32 s9, $0xFA  }
0x9c: {  	[hbm4b:s7+s4] =	stream.linear.scatter [tilespmem:s24], [sflag:$0x6], $0x2000, $0x38;
	[tilespmem:$0x11000] =	vst v63  }
0x9d: {  	s7 =	sshll.u32 s15, $0xD  }
0x9e: {  	s7 =	sadd.s32 s7, s12  }
0x9f: {  	s7 =	sshrl.u32 s7, $0x3  }
0xa0: {  	s7 =	sadd.s32 s1, s7  }
0xa1: {  	[tilespmem:s18], [sflag:$0x2] =	stream.linear.gather [hbm4b:s7+s4], $0x2000, $0x38;
	[tilespmem:$0x11000] =	vst v63  }
0xa2: {  	_ =	swait.ge [sflag:s25], $0x2000  }
0xa3: {  	[sflag:s25] =	ssyncset.done $0x0  }
0xa4: {  	s7 =	simm.s32 @!p0 $0x7;
	[sflag:s25] =	ssyncadd.s32 $0xFFFFE000  }
0xa5: {  	_ =	swait.ge @!p0 [sflag:s7], $0x2000  }
0xa6: {  	[sflag:s7] =	ssyncset.done @!p0 $0x0  }
0xa7: {  	s16 =	simm.s32 $0x40;
	[sflag:s7] =	ssyncadd.s32 @!p0 $0xFFFFE000  }
0xa8: {  	v0 =	vld [tilespmem:s16+$0x30]  }
0xa9: {  	v1 =	vld [tilespmem:s16+$0xFFFFFFD0]  }
0xaa: {  	v2 =	vld [tilespmem:s16+$0xFFFFFFE0]  }
0xab: {  	v3 =	vld [tilespmem:s16+$0xFFFFFFF0]  }
0xac: {  	v4 =	vld [tilespmem:s16+$0x0]  }
0xad: {  	v5 =	vld [tilespmem:s16+$0x10]  }
0xae: {  	v6 =	vld [tilespmem:s16+$0x20]  }
0xaf: {  	v7 =	vld [tilespmem:s16+$0xFFFFFFC0]  }
0xb0: {  	v8 =	vld.idx.msk [tilespmem:v0+s19+$0x0], $0xffff  }
0xb1: {  	v9 =	vld.idx.msk [tilespmem:v1+s19+$0x0], $0xffff  }
0xb2: {  	v10 =	vld.idx.msk [tilespmem:v2+s19+$0x0], $0xffff  }
0xb3: {  	v0 =	vadd.s32 $0x1000, v0;
	v11 =	vld.idx.msk [tilespmem:v3+s19+$0x0], $0xffff  }
0xb4: {  	v1 =	vadd.s32 $0x1000, v1;
	v12 =	vld.idx.msk [tilespmem:v4+s19+$0x0], $0xffff  }
0xb5: {  	s15 =	simm.s32 $0xE000;
	v2 =	vadd.s32 $0x1000, v2;
	v13 =	vld.idx.msk [tilespmem:v5+s19+$0x0], $0xffff  }
0xb6: {  	v3 =	vadd.s32 $0x1000, v3;
	v14 =	vld.idx.msk [tilespmem:v6+s19+$0x0], $0xffff;
	[tilespmem:s15+$0xFFFFF070] =	vst v8  }
0xb7: {  	v4 =	vadd.s32 $0x1000, v4;
	v62 =	vld.idx.msk [tilespmem:v7+s19+$0x0], $0xffff;
	[tilespmem:s15+$0xFFFFF010] =	vst v9  }
0xb8: {  	v5 =	vadd.s32 $0x1000, v5;
	[tilespmem:s15+$0xFFFFF020] =	vst v10;
	v8 =	vld.idx.msk [tilespmem:v0+s19+$0x0], $0xffff  }
0xb9: {  	v6 =	vadd.s32 $0x1000, v6;
	[tilespmem:s15+$0xFFFFF030] =	vst v11;
	v63 =	vld.idx.msk [tilespmem:v1+s19+$0x0], $0xffff  }
0xba: {  	v7 =	vadd.s32 $0x1000, v7;
	[tilespmem:s15+$0xFFFFF040] =	vst v12;
	v0 =	vld.idx.msk [tilespmem:v2+s19+$0x0], $0xffff  }
0xbb: {  	[tilespmem:s15+$0xFFFFF050] =	vst v13;
	v1 =	vld.idx.msk [tilespmem:v3+s19+$0x0], $0xffff  }
0xbc: {  	[tilespmem:s15+$0xFFFFF060] =	vst v14;
	v2 =	vld.idx.msk [tilespmem:v4+s19+$0x0], $0xffff  }
0xbd: {  	[tilespmem:s15+$0xFFFFF000] =	vst v62;
	v3 =	vld.idx.msk [tilespmem:v5+s19+$0x0], $0xffff  }
0xbe: {  	v4 =	vld.idx.msk [tilespmem:v6+s19+$0x0], $0xffff;
	[tilespmem:s15+$0x70] =	vst v8  }
0xbf: {  	s7 =	simm.s32 $0x0;
	s16 =	simm.s32 $0xC0;
	v5 =	vld.idx.msk [tilespmem:v7+s19+$0x0], $0xffff;
	[tilespmem:s15+$0x10] =	vst v63  }
.LBB2_7:
0xc0: {  	v6 =	vld [tilespmem:s16+$0x30];
	s7 =	sadd.s32 $0x8, s7;
	[tilespmem:s15+$0x20] =	vst v0  }
0xc1: {  	v0 =	vld [tilespmem:s16+$0xFFFFFFD0];
	p1 =	slt.u32 s7, $0xF8;
	[tilespmem:s15+$0x30] =	vst v1  }
0xc2: {  	v1 =	vld [tilespmem:s16+$0xFFFFFFE0];
	[tilespmem:s15+$0x40] =	vst v2  }
0xc3: {  	v2 =	vld [tilespmem:s16+$0xFFFFFFF0];
	[tilespmem:s15+$0x50] =	vst v3  }
0xc4: {  	v3 =	vld [tilespmem:s16+$0x0];
	[tilespmem:s15+$0x60] =	vst v4  }
0xc5: {  	v4 =	vld [tilespmem:s16+$0x10];
	[tilespmem:s15+$0x0] =	vst v5  }
0xc6: {  	v5 =	vadd.s32 $0x1000, v0;
	v7 =	vld [tilespmem:s16+$0x20]  }
0xc7: {  	v8 =	vld [tilespmem:s16+$0xFFFFFFC0];
	v9 =	vadd.s32 $0x1000, v1  }
0xc8: {  	v10 =	vadd.s32 $0x1000, v2;
	v11 =	vld.idx.msk [tilespmem:v6+s19+$0x0], $0xffff  }
0xc9: {  	v0 =	vld.idx.msk [tilespmem:v0+s19+$0x0], $0xffff;
	v12 =	vadd.s32 $0x1000, v3  }
0xca: {  	v6 =	vadd.s32 $0x1000, v6;
	v1 =	vld.idx.msk [tilespmem:v1+s19+$0x0], $0xffff;
	v13 =	vadd.s32 $0x1000, v4  }
0xcb: {  	v2 =	vld.idx.msk [tilespmem:v2+s19+$0x0], $0xffff;
	v14 =	vadd.s32 $0x1000, v7  }
0xcc: {  	v15 =	vadd.s32 $0x1000, v8;
	v3 =	vld.idx.msk [tilespmem:v3+s19+$0x0], $0xffff  }
0xcd: {  	s15 =	sadd.s32 $0x80, s15;
	v4 =	vld.idx.msk [tilespmem:v4+s19+$0x0], $0xffff  }
0xce: {  	v7 =	vld.idx.msk [tilespmem:v7+s19+$0x0], $0xffff;
	[tilespmem:s15+$0xFFFFF070] =	vst v11  }
0xcf: {  	[tilespmem:s15+$0xFFFFF010] =	vst v0;
	v6 =	vld.idx.msk [tilespmem:v6+s19+$0x0], $0xffff  }
0xd0: {  	v8 =	vld.idx.msk [tilespmem:v8+s19+$0x0], $0xffff;
	[tilespmem:s15+$0xFFFFF020] =	vst v1  }
0xd1: {  	v11 =	vld.idx.msk [tilespmem:v5+s19+$0x0], $0xffff;
	[tilespmem:s15+$0xFFFFF030] =	vst v2  }
0xd2: {  	v0 =	vld.idx.msk [tilespmem:v9+s19+$0x0], $0xffff;
	[tilespmem:s15+$0xFFFFF040] =	vst v3  }
.Ltmp2:
0xd3: {  	v1 =	vld.idx.msk [tilespmem:v10+s19+$0x0], $0xffff;
	[tilespmem:s15+$0xFFFFF050] =	vst v4;
	(pc) =	sbr.rel @p1 .LBB2_7-.Ltmp2, $4  }
0xd4: {  	v2 =	vld.idx.msk [tilespmem:v12+s19+$0x0], $0xffff;
	[tilespmem:s15+$0xFFFFF060] =	vst v7  }
0xd5: {  	v3 =	vld.idx.msk [tilespmem:v13+s19+$0x0], $0xffff;
	[tilespmem:s15+$0x70] =	vst v6  }
0xd6: {  	[tilespmem:s15+$0xFFFFF000] =	vst v8;
	v4 =	vld.idx.msk [tilespmem:v14+s19+$0x0], $0xffff  }
0xd7: {  	s16 =	sadd.s32 $0x80, s16;
	v5 =	vld.idx.msk [tilespmem:v15+s19+$0x0], $0xffff;
	[tilespmem:s15+$0x10] =	vst v11  }
0xd8: {  	[tilespmem:s15+$0x20] =	vst v0  }
0xd9: {  	[tilespmem:s15+$0x30] =	vst v1  }
0xda: {  	[tilespmem:s15+$0x40] =	vst v2  }
0xdb: {  	[tilespmem:s15+$0x50] =	vst v3  }
0xdc: {  	[tilespmem:s15+$0x60] =	vst v4  }
0xdd: {  	s7 =	sadd.s32 $0x800, s10;
	[tilespmem:s15+$0x0] =	vst v5;
	s15 =	smin.u32 s9, $0xF9  }
0xde: {  	[hbm4b:s7+s4] =	stream.linear.scatter [tilespmem:s26], [sflag:$0x7], $0x2000, $0x38;
	[tilespmem:$0x11000] =	vst v63  }
0xdf: {  	s7 =	sshll.u32 s15, $0xD  }
0xe0: {  	s7 =	sadd.s32 s7, s13  }
0xe1: {  	s7 =	sshrl.u32 s7, $0x3  }
0xe2: {  	s7 =	sadd.s32 s1, s7  }
0xe3: {  	[tilespmem:s19], [sflag:$0x3] =	stream.linear.gather [hbm4b:s7+s4], $0x2000, $0x38;
	[tilespmem:$0x11000] =	vst v63  }
0xe4: {  	_ =	swait.ge [sflag:s28], $0x2000  }
0xe5: {  	[sflag:s28] =	ssyncset.done $0x0  }
0xe6: {  	s7 =	simm.s32 @!p0 $0x8;
	[sflag:s28] =	ssyncadd.s32 $0xFFFFE000  }
0xe7: {  	_ =	swait.ge @!p0 [sflag:s7], $0x2000  }
0xe8: {  	[sflag:s7] =	ssyncset.done @!p0 $0x0  }
0xe9: {  	s16 =	simm.s32 $0x40;
	[sflag:s7] =	ssyncadd.s32 @!p0 $0xFFFFE000  }
0xea: {  	v0 =	vld [tilespmem:s16+$0x30]  }
0xeb: {  	v1 =	vld [tilespmem:s16+$0xFFFFFFD0]  }
0xec: {  	v2 =	vld [tilespmem:s16+$0xFFFFFFE0]  }
0xed: {  	v3 =	vld [tilespmem:s16+$0xFFFFFFF0]  }
0xee: {  	v4 =	vld [tilespmem:s16+$0x0]  }
0xef: {  	v5 =	vld [tilespmem:s16+$0x10]  }
0xf0: {  	v6 =	vld [tilespmem:s16+$0x20]  }
0xf1: {  	v7 =	vld [tilespmem:s16+$0xFFFFFFC0]  }
0xf2: {  	v8 =	vld.idx.msk [tilespmem:v0+s20+$0x0], $0xffff  }
0xf3: {  	v9 =	vld.idx.msk [tilespmem:v1+s20+$0x0], $0xffff  }
0xf4: {  	v10 =	vld.idx.msk [tilespmem:v2+s20+$0x0], $0xffff  }
0xf5: {  	v0 =	vadd.s32 $0x1000, v0;
	v11 =	vld.idx.msk [tilespmem:v3+s20+$0x0], $0xffff  }
0xf6: {  	v1 =	vadd.s32 $0x1000, v1;
	v12 =	vld.idx.msk [tilespmem:v4+s20+$0x0], $0xffff  }
0xf7: {  	s15 =	simm.s32 $0x10000;
	v2 =	vadd.s32 $0x1000, v2;
	v13 =	vld.idx.msk [tilespmem:v5+s20+$0x0], $0xffff  }
0xf8: {  	v3 =	vadd.s32 $0x1000, v3;
	v14 =	vld.idx.msk [tilespmem:v6+s20+$0x0], $0xffff;
	[tilespmem:s15+$0xFFFFF070] =	vst v8  }
0xf9: {  	v4 =	vadd.s32 $0x1000, v4;
	v62 =	vld.idx.msk [tilespmem:v7+s20+$0x0], $0xffff;
	[tilespmem:s15+$0xFFFFF010] =	vst v9  }
0xfa: {  	v5 =	vadd.s32 $0x1000, v5;
	[tilespmem:s15+$0xFFFFF020] =	vst v10;
	v8 =	vld.idx.msk [tilespmem:v0+s20+$0x0], $0xffff  }
0xfb: {  	v6 =	vadd.s32 $0x1000, v6;
	[tilespmem:s15+$0xFFFFF030] =	vst v11;
	v63 =	vld.idx.msk [tilespmem:v1+s20+$0x0], $0xffff  }
0xfc: {  	v7 =	vadd.s32 $0x1000, v7;
	[tilespmem:s15+$0xFFFFF040] =	vst v12;
	v0 =	vld.idx.msk [tilespmem:v2+s20+$0x0], $0xffff  }
0xfd: {  	[tilespmem:s15+$0xFFFFF050] =	vst v13;
	v1 =	vld.idx.msk [tilespmem:v3+s20+$0x0], $0xffff  }
0xfe: {  	[tilespmem:s15+$0xFFFFF060] =	vst v14;
	v2 =	vld.idx.msk [tilespmem:v4+s20+$0x0], $0xffff  }
0xff: {  	[tilespmem:s15+$0xFFFFF000] =	vst v62;
	v3 =	vld.idx.msk [tilespmem:v5+s20+$0x0], $0xffff  }
0x100: {  	v4 =	vld.idx.msk [tilespmem:v6+s20+$0x0], $0xffff;
	[tilespmem:s15+$0x70] =	vst v8  }
0x101: {  	s7 =	simm.s32 $0x0;
	s16 =	simm.s32 $0xC0;
	v5 =	vld.idx.msk [tilespmem:v7+s20+$0x0], $0xffff;
	[tilespmem:s15+$0x10] =	vst v63  }
.LBB2_9:
0x102: {  	v6 =	vld [tilespmem:s16+$0x30];
	s7 =	sadd.s32 $0x8, s7;
	[tilespmem:s15+$0x20] =	vst v0  }
0x103: {  	v0 =	vld [tilespmem:s16+$0xFFFFFFD0];
	p0 =	slt.u32 s7, $0xF8;
	[tilespmem:s15+$0x30] =	vst v1  }
0x104: {  	v1 =	vld [tilespmem:s16+$0xFFFFFFE0];
	[tilespmem:s15+$0x40] =	vst v2  }
0x105: {  	v2 =	vld [tilespmem:s16+$0xFFFFFFF0];
	[tilespmem:s15+$0x50] =	vst v3  }
0x106: {  	v3 =	vld [tilespmem:s16+$0x0];
	[tilespmem:s15+$0x60] =	vst v4  }
0x107: {  	v4 =	vld [tilespmem:s16+$0x10];
	[tilespmem:s15+$0x0] =	vst v5  }
0x108: {  	v5 =	vadd.s32 $0x1000, v0;
	v7 =	vld [tilespmem:s16+$0x20]  }
0x109: {  	v8 =	vld [tilespmem:s16+$0xFFFFFFC0];
	v9 =	vadd.s32 $0x1000, v1  }
0x10a: {  	v10 =	vadd.s32 $0x1000, v2;
	v11 =	vld.idx.msk [tilespmem:v6+s20+$0x0], $0xffff  }
0x10b: {  	v0 =	vld.idx.msk [tilespmem:v0+s20+$0x0], $0xffff;
	v12 =	vadd.s32 $0x1000, v3  }
0x10c: {  	v6 =	vadd.s32 $0x1000, v6;
	v1 =	vld.idx.msk [tilespmem:v1+s20+$0x0], $0xffff;
	v13 =	vadd.s32 $0x1000, v4  }
0x10d: {  	v2 =	vld.idx.msk [tilespmem:v2+s20+$0x0], $0xffff;
	v14 =	vadd.s32 $0x1000, v7  }
0x10e: {  	v15 =	vadd.s32 $0x1000, v8;
	v3 =	vld.idx.msk [tilespmem:v3+s20+$0x0], $0xffff  }
0x10f: {  	s15 =	sadd.s32 $0x80, s15;
	v4 =	vld.idx.msk [tilespmem:v4+s20+$0x0], $0xffff  }
0x110: {  	v7 =	vld.idx.msk [tilespmem:v7+s20+$0x0], $0xffff;
	[tilespmem:s15+$0xFFFFF070] =	vst v11  }
0x111: {  	[tilespmem:s15+$0xFFFFF010] =	vst v0;
	v6 =	vld.idx.msk [tilespmem:v6+s20+$0x0], $0xffff  }
0x112: {  	v8 =	vld.idx.msk [tilespmem:v8+s20+$0x0], $0xffff;
	[tilespmem:s15+$0xFFFFF020] =	vst v1  }
0x113: {  	v11 =	vld.idx.msk [tilespmem:v5+s20+$0x0], $0xffff;
	[tilespmem:s15+$0xFFFFF030] =	vst v2  }
0x114: {  	v0 =	vld.idx.msk [tilespmem:v9+s20+$0x0], $0xffff;
	[tilespmem:s15+$0xFFFFF040] =	vst v3  }
.Ltmp3:
0x115: {  	v1 =	vld.idx.msk [tilespmem:v10+s20+$0x0], $0xffff;
	[tilespmem:s15+$0xFFFFF050] =	vst v4;
	(pc) =	sbr.rel @p0 .LBB2_9-.Ltmp3, $4  }
0x116: {  	v2 =	vld.idx.msk [tilespmem:v12+s20+$0x0], $0xffff;
	[tilespmem:s15+$0xFFFFF060] =	vst v7  }
0x117: {  	v3 =	vld.idx.msk [tilespmem:v13+s20+$0x0], $0xffff;
	[tilespmem:s15+$0x70] =	vst v6  }
0x118: {  	[tilespmem:s15+$0xFFFFF000] =	vst v8;
	v4 =	vld.idx.msk [tilespmem:v14+s20+$0x0], $0xffff  }
0x119: {  	s16 =	sadd.s32 $0x80, s16;
	v5 =	vld.idx.msk [tilespmem:v15+s20+$0x0], $0xffff;
	[tilespmem:s15+$0x10] =	vst v11  }
0x11a: {  	[tilespmem:s15+$0x20] =	vst v0  }
0x11b: {  	[tilespmem:s15+$0x30] =	vst v1  }
0x11c: {  	[tilespmem:s15+$0x40] =	vst v2  }
0x11d: {  	[tilespmem:s15+$0x50] =	vst v3  }
0x11e: {  	s8 =	sadd.s32 $0x1, s8;
	[tilespmem:s15+$0x60] =	vst v4  }
0x11f: {  	s7 =	sadd.s32 $0xC00, s10;
	s16 =	smin.u32 s9, $0xF8;
	p0 =	sne.s32 s8, $0x40;
	[tilespmem:s15+$0x0] =	vst v5  }
0x120: {  	[hbm4b:s7+s4] =	stream.linear.scatter [tilespmem:s29], [sflag:$0x8], $0x2000, $0x38;
	[tilespmem:$0x11000] =	vst v63  }
.Ltmp4:
0x121: {  	s7 =	sshll.u32 s16, $0xD;
	(pc) =	sbr.rel @p0 .LBB2_2-.Ltmp4, $4  }
0x122: {  	s7 =	sadd.s32 s7, s14  }
0x123: {  	s7 =	sshrl.u32 s7, $0x3  }
0x124: {  	s7 =	sadd.s32 s1, s7  }
0x125: {  	[tilespmem:s20], [sflag:$0x4] =	stream.linear.gather [hbm4b:s7+s4], $0x2000, $0x38;
	[tilespmem:$0x11000] =	vst v63  }
0x126: {  	_ =	swait.ge [sflag:s21], $0x2000  }
0x127: {  	[sflag:s21] =	ssyncset.done $0x0  }
0x128: {  	[sflag:s21] =	ssyncadd.s32 $0xFFFFE000  }
0x129: {  	_ =	swait.ge [sflag:s30], $0x2000  }
0x12a: {  	[sflag:s30] =	ssyncset.done $0x0  }
0x12b: {  	[sflag:s30] =	ssyncadd.s32 $0xFFFFE000  }
0x12c: {  	_ =	swait.ge [sflag:s23], $0x2000  }
0x12d: {  	[sflag:s23] =	ssyncset.done $0x0  }
0x12e: {  	[sflag:s23] =	ssyncadd.s32 $0xFFFFE000  }
0x12f: {  	_ =	swait.ge [sflag:s31], $0x2000  }
0x130: {  	[sflag:s31] =	ssyncset.done $0x0  }
0x131: {  	[sflag:s31] =	ssyncadd.s32 $0xFFFFE000  }
0x132: {  	_ =	swait.ge [sflag:s25], $0x2000  }
0x133: {  	[sflag:s25] =	ssyncset.done $0x0  }
0x134: {  	[sflag:s25] =	ssyncadd.s32 $0xFFFFE000  }
0x135: {  	_ =	swait.ge [sflag:s0], $0x2000  }
0x136: {  	[sflag:s0] =	ssyncset.done $0x0  }
0x137: {  	[sflag:s0] =	ssyncadd.s32 $0xFFFFE000  }
0x138: {  	_ =	swait.ge [sflag:s28], $0x2000  }
0x139: {  	[sflag:s28] =	ssyncset.done $0x0  }
0x13a: {  	[sflag:s28] =	ssyncadd.s32 $0xFFFFE000  }
0x13b: {  	_ =	swait.ge [sflag:s2], $0x2000  }
0x13c: {  	s3 =	sadd.s32 $0x1, s3;
	s7 =	rddreg [dreg:$0x8]  }
0x13d: {  	p0 =	sne.s32 s3, s7  }
.Ltmp5:
0x13e: {  	_ = 	snop;
	(pc) =	sbr.rel @p0 .LBB2_1-.Ltmp5, $3  }
0x13f: {  	_ =	sdelay $0x1  }
0x140: {  	[sflag:s2] =	ssyncset.done $0x0  }
0x141: {  	[sflag:s2] =	ssyncadd.s32 $0xFFFFE000  }
0x142: {  	_ =	sfence.sel $0x180000  }
0x143: {  	[bflag:$0x0] =	sbarrier.arrive $0xFFFF  }
0x144: {  	_ =	strace $0x9000004A  }
0x145: {  	s0 =	stileid.u32;
	[bflag:$0x2] =	sbarrier.arrive $0xFFFF  }
0x146: {  	p0 =	sne.s32 s0, $0x0;
	s0 =	rddreg [dreg:$0x3]  }
0x147: {  	s0 =	sadd.s32 @!p0 $0x100000, s0  }
0x148: {  	[sflag:s0] =	ssyncadd.tile.s32 @!p0 $0x1;
	_ =	shalt  }
.Lfunc_end2:
_tile_overlayer_lowered:
.L_overlay_start_2:
0x149: {  	(tag) =	ssettag $0x2  }
0x14a: {  	s0 =	rddreg [dreg:$0x0];
	s2 =	stileid.u32  }
0x14b: {  	s1 =	rddreg [dreg:$0x1];
	p0 =	sne.s32 s2, $0x0  }
0x14c: {  	s3 =	rddreg [dreg:$0x2];
	[bflag:$0x3] =	sbarrier.arrive $0xFFFF;
	s2 =	simm.s32 @!p0 $0x1C09  }
0x14d: {  	[timem:s3], [sflag:s2] =	dma.local @!p0 [hbm:s0], s1  }
0x14e: {  	s0 =	simm.s32 @!p0 $0x9  }
0x14f: {  	_ =	swait.ge @!p0 [sflag:s0], s1  }
0x150: {  	s1 =	ssub.s32 @!p0 $0x0, s1;
	[sflag:s0] =	ssyncset.done @!p0 $0x0  }
0x151: {  	[sflag:s0] =	ssyncadd.s32 @!p0 s1  }
0x152: {  	[bflag:$0x3] =	sbarrier.arrive $0xFFFF  }
0x153: {  	_ =	shalt  }

// kernel: sparse-core-data-format-call.cloned.1.call-start
scs
called_computation_lowered:
.L_overlay_start_0:
0x0: {  	s2 =	sld [smem:$0x3FD9]  }
0x1: {  	s3 =	sld [smem:$0x3FFE];
	_ =	sdelay $0x1  }
0x2: {  	s1 =	srdreg.scid  }
0x3: {  	s0 =	sand.u32 $0x1, s1  }
0x4: {  	s19 =	sshll.u32 s0, $0xA;
	s2 =	sadd.s32 s3, s2  }
0x5: {  	s2 =	sadd.s32 s2, s19  }
0x6: {  	[smem:$0x3FC6] =	sst s2  }
0x7: {  	_ = 	snop  }
0x8: {  	s2 =	sld [smem:$0x3FC9]  }
0x9: {  	s20 =	sld [smem:$0x3FD0];
	(tm) =	ssettm $0x1  }
0xa: {  	s4 =	sld [smem:$0x3FFB];
	_ =	sdelay $0x3  }
0xb: {  	_ =	strace s4  }
0xc: {  	s4 =	sld [smem:$0x3FFC];
	_ =	sdelay $0x3  }
0xd: {  	_ =	strace s4  }
0xe: {  	s4 =	sld [smem:$0x3FFD];
	_ =	sdelay $0x3  }
0xf: {  	_ =	strace s4  }
0x10: {  	_ =	strace $0x8FFFFFFF  }
0x11: {  	s21 =	sld [smem:$0x3FDB];
	_ =	sdelay $0x1  }
0x12: {  	s5 =	simm.s32 $_scs_section_size  }
0x13: {  	s6 =	simm.s32 $_size__tile_overlayer_lowered;
	s7 =	simm.s32 $_tile_overlayer_lowered  }
0x14: {  	s24 =	simm.s32 $0x1BFF;
	s23 =	sshll.u32 s7, $0x1;
	s4 =	sadd.s32 s5, s21  }
0x15: {  	s8 =	simm.s32 $0x0;
	s22 =	sshll.u32 s6, $0x1;
	s6 =	sadd.s32 s23, s4  }
0x16: {  	[timem:s8], [sflag:s24] =	dma.local [hbm:s6], s22  }
0x17: {  	_ =	swait.ge [sflag:s24], s22  }
0x18: {  	s5 =	ssub.s32 $0x0, s22;
	[sflag:s24] =	ssyncset.done $0x0  }
0x19: {  	[sflag:s24] =	ssyncadd.s32 s5;
	_ =	sdelay $0x1  }
0x1a: {  	s25 =	simm.s32 $0x1B8B  }
0x1b: {  	_ =	swait.ge [sflag:s25], $0x1  }
0x1c: {  	[sflag:s25] =	ssyncset.done $0x0  }
0x1d: {  	s26 =	simm.s32 $0x1B8E;
	[sflag:s25] =	ssyncadd.s32 $0xFFFFFFFF  }
0x1e: {  	s27 =	simm.s32 $execute0_lowered;
	[smem:$0x3FD2] =	sst s26  }
0x1f: {  	s5 =	sshll.u32 s27, $0x1;
	_ =	strace $0x80000046;
	[dreg:$0x1] =	wrdreg $0xFFFFFFFF  }
0x20: {  	s28 =	simm.s32 $_size_execute0_lowered;
	s4 =	sadd.s32 s4, s5;
	[dreg:$0x0] =	wrdreg $0x0  }
0x21: {  	s5 =	sshll.u32 s28, $0x1;
	[dreg:$0x2] =	wrdreg s4  }
0x22: {  	[dreg:$0x3] =	wrdreg s5  }
0x23: {  	[dreg:$0x4] =	wrdreg $0xC0  }
0x24: {  	_ =	task [dreg:s8], $0x5FFFF  }
0x25: {  	[dreg:$0x1] =	wrdreg $0xFFFFFFFF  }
0x26: {  	[dreg:$0x0] =	wrdreg $0x60  }
0x27: {  	[dreg:$0x2] =	wrdreg s2  }
0x28: {  	[dreg:$0x3] =	wrdreg s20  }
0x29: {  	[dreg:$0x4] =	wrdreg $0x9  }
0x2a: {  	_ =	task.clear_ibuf [dreg:s8], $0x5FFFF;
	_ =	strace $0x90000046  }
0x2b: {  	s29 =	simm.s32 $0x9;
	_ =	strace $0x80000048  }
0x2c: {  	_ =	swait.ge [sflag:s29], $0x1  }
0x2d: {  	[sflag:s29] =	ssyncadd.s32 $0xFFFFFFFF  }
0x2e: {  	_ =	strace $0x90000048  }
0x2f: {  	_ =	sfence  }
0x30: {  	s30 =	sld [smem:$0x0];
	_ =	sdelay $0x2  }
0x31: {  	s31 =	sshll.u32 s1, $0xD;
	s1 =	sshrl.u32 s1, $0x2  }
0x32: {  	s3 =	sand.u32 $0x4000, s31;
	s1 =	sadd.s32 s1, s30  }
0x33: {  	s0 =	sor.u32 s3, s0;
	s1 =	sshll.u32 s1, $0x11  }
0x34: {  	s0 =	sor.u32 s1, s0  }
0x35: {  	s0 =	sadd.s32 $0x8F2B, s0  }
0x36: {  	[sflag:s0] =	ssyncadd.remote.s32 $0x1  }
0x37: {  	_ =	sfence.sel $0xFFFF  }
0x38: {  	[dreg:$0x0] =	wrdreg $0xFFFFFFFF;
	(pc) =	sbr.abs _section_cstart, $3  }
0x39: {  	[dreg:$0x1] =	wrdreg $0xFFFFFFFF  }
0x3a: {  	_ =	task.clear_ibuf [dreg:s8], $0x2FFFF;
	_ =	strace $0x9FFFFFFF  }
0x3b: {  	(tm) =	ssettm $0x7FFFFFFF  }
tec
execute0_lowered:
.L_overlay_start_1:
0x0: {  	(tag) =	ssettag $0x1  }
0x1: {  	s2 =	rddreg [dreg:$0x0]  }
0x2: {  	s3 =	rddreg [dreg:$0x1]  }
0x3: {  	s0 =	rddreg [dreg:$0x2];
	_ =	strace $0x80000047  }
0x4: {  	s4 =	srdreg.scid;
	s1 =	stileid.u32;
	s6 =	simm.s32 $0x2  }
.Ltmp0:
0x5: {  	s11 =	simm.s32 $0x0;
	p0 =	por $0x0, $0x0;
	(pc) =	sbr.rel .LBB1_1-.Ltmp0, $4  }
0x6: {  	s7 =	simm.s32 $0x1000;
	s12 =	simm.s32 $0x0;
	s5 =	sshll.u32 s4, $0x4  }
0x7: {  	s9 =	simm.s32 $0x0;
	s4 =	simm.s32 $0x1;
	s5 =	sand.u32 $0x10, s5  }
0x8: {  	s8 =	simm.s32 $0x0;
	[sflag:s4] =	ssyncpa.u1 $0x0;
	s5 =	sor.u32 s1, s5  }
0x9: {  	[sflag:s6] =	ssyncpa.u1 $0x0;
	s6 =	simm.s32 $0x800;
	s10 =	smov.u32 s5  }
.LBB1_7:
0xa: {  	s13 =	sadd.s32 $0x10, s9  }
0xb: {  	s11 =	sadd.s32 $0x20, s10;
	s15 =	smov.u32 s10;
	p2 =	sgt.s32 s13, $0x1F  }
0xc: {  	p1 =	slt.u32 s8, $0x2;
	s15 =	smov.u32 @p2 s11  }
0xd: {  	s8 =	sadd.s32 $0x1, s8;
	s13 =	simm.s32 @p2 $0x0;
	p2 =	sgt.s32 s15, $0x7FF  }
0xe: {  	s15 =	smov.u32 @p2 s5;
	p2 =	sne.s32 s8, $0x82  }
.Ltmp1:
0xf: {  	_ = 	snop;
	(pc) =	sbr.rel @!p2 .LBB1_8-.Ltmp1, $4  }
0x10: {  	s14 =	simm.s32 @!p1 $0x2  }
0x11: {  	s12 =	smov.u32 s10;
	_ =	swait.ge @!p1 [sflag:s14], $0x4000  }
0x12: {  	p0 =	por !p0, !p0;
	s11 =	smov.u32 s9;
	[sflag:s14] =	ssyncset.done @!p1 $0x0  }
0x13: {  	s9 =	smov.u32 s13;
	[sflag:s14] =	ssyncadd.s32 @!p1 $0xFFFFC000;
	s10 =	smov.u32 s15  }
.LBB1_1:
0x14: {  	p1 =	sgt.u32 s8, $0x7F  }
0x15: {  	s13 =	sxor.u32 @!p1 $0xFFFFFFFF, s8;
	s14 =	sshll.u32 @!p1 s10, $0xC  }
0x16: {  	s15 =	sshll.u32 @!p1 s9, $0x7;
	s13 =	sshll.u32 @!p1 s13, $0xE;
	s14 =	sadd.s32 @!p1 s2, s14  }
0x17: {  	s13 =	sand.u32 @!p1 $0x4000, s13;
	s14 =	sadd.s32 @!p1 s15, s14;
	s15 =	simm.s32 @!p1 $0x0  }
0x18: {  	[tilespmem:s13], [sflag:$0x1] =	stream.linear.gather @!p1 [hbm4b:s14+s15], $0x4000, $0x38;
	[tilespmem:$0x10000] =	vst v63  }
0x19: {  	p1 =	seq.s32 s8, $0x0  }
0x1a: {  	p2 =	seq.s32 @!p1 s8, $0x81  }
0x1b: {  	p1 =	por p1, p2  }
.Ltmp2:
0x1c: {  	_ = 	snop;
	(pc) =	sbr.rel @p1 .LBB1_7-.Ltmp2, $1  }
0x1d: {  	_ =	sdelay $0x3  }
0x1e: {  	s13 =	simm.s32 $0x1;
	_ =	swait.ge [sflag:s4], $0x4000;
	s16 =	sshll.u32 s8, $0xE  }
0x1f: {  	s13 =	simm.s32 @!p0 $0x0;
	[sflag:s4] =	ssyncset.done $0x0;
	s31 =	sand.u32 $0x4000, s16  }
0x20: {  	s16 =	simm.s32 $0x0;
	s14 =	sshll.u32 s13, $0xE;
	[sflag:s4] =	ssyncadd.s32 $0xFFFFC000  }
0x21: {  	s13 =	sor.u32 $0x8040, s14;
	s15 =	sor.u32 $0x40, s14;
	s14 =	sor.u32 $0x8000, s31  }
.LBB1_3:
0x22: {  	v0 =	vmov s15;
	_ =	sdelay $0x3  }
0x23: {  	s18 =	simm.s32 $0x0  }
0x24: {  	v6 =	vld.idx.msk [tilespmem:v0+s18+$0x30 ss:$0x1], $0xffff  }
0x25: {  	v7 =	vld.idx.msk [tilespmem:v0+s18+$0xFFFFFFC0 ss:$0x1], $0xffff  }
0x26: {  	v5 =	vld.idx.msk [tilespmem:v0+s18+$0xFFFFFFD0 ss:$0x1], $0xffff  }
0x27: {  	v4 =	vld.idx.msk [tilespmem:v0+s18+$0xFFFFFFE0 ss:$0x1], $0xffff  }
0x28: {  	v3 =	vld.idx.msk [tilespmem:v0+s18+$0xFFFFFFF0 ss:$0x1], $0xffff  }
0x29: {  	v1 =	vld.idx.msk [tilespmem:v0+s18+$0x0 ss:$0x1], $0xffff  }
0x2a: {  	v2 =	vld.idx.msk [tilespmem:v0+s18+$0x10 ss:$0x1], $0xffff;
	[tilespmem:s13+$0x30] =	vst v6  }
0x2b: {  	s17 =	simm.s32 $0x80;
	s19 =	simm.s32 $0x400;
	[tilespmem:s13+$0xFFFFFFC0] =	vst v7;
	v6 =	vld.idx.msk [tilespmem:v0+s18+$0x20 ss:$0x1], $0xffff;
	s18 =	smov.u32 s13  }
.LBB1_4:
0x2c: {  	p1 =	sne.s32 s19, $0xE00;
	v7 =	vld.idx.msk [tilespmem:v0+s17+$0x30 ss:$0x1], $0xffff;
	[tilespmem:s18+$0xFFFFFFD0] =	vst v5  }
0x2d: {  	v8 =	vld.idx.msk [tilespmem:v0+s17+$0xFFFFFFC0 ss:$0x1], $0xffff;
	[tilespmem:s18+$0xFFFFFFE0] =	vst v4  }
0x2e: {  	v5 =	vld.idx.msk [tilespmem:v0+s17+$0xFFFFFFD0 ss:$0x1], $0xffff;
	[tilespmem:s18+$0xFFFFFFF0] =	vst v3  }
.Ltmp3:
0x2f: {  	v4 =	vld.idx.msk [tilespmem:v0+s17+$0xFFFFFFE0 ss:$0x1], $0xffff;
	[tilespmem:s18+$0x0] =	vst v1;
	(pc) =	sbr.rel @p1 .LBB1_4-.Ltmp3, $4  }
0x30: {  	v3 =	vld.idx.msk [tilespmem:v0+s17+$0xFFFFFFF0 ss:$0x1], $0xffff;
	[tilespmem:s18+$0x10] =	vst v2  }
0x31: {  	v1 =	vld.idx.msk [tilespmem:v0+s17+$0x0 ss:$0x1], $0xffff;
	[tilespmem:s18+$0x20] =	vst v6;
	s18 =	sadd.s32 $0x800, s18  }
0x32: {  	v2 =	vld.idx.msk [tilespmem:v0+s17+$0x10 ss:$0x1], $0xffff;
	[tilespmem:s18+$0x30] =	vst v7  }
0x33: {  	[tilespmem:s18+$0xFFFFFFC0] =	vst v8;
	v6 =	vld.idx.msk [tilespmem:v0+s17+$0x20 ss:$0x1], $0xffff;
	s17 =	sshra.s32 s19, $0x2;
	s19 =	sadd.s32 $0x200, s19  }
0x34: {  	_ =	sdelay $0x2  }
0x35: {  	[tilespmem:s18+$0xFFFFFFD0] =	vst v5  }
0x36: {  	v56 =	vld.idx.msk [tilespmem:v0+s17+$0x30 ss:$0x1], $0xffff;
	[tilespmem:s18+$0xFFFFFFE0] =	vst v4  }
0x37: {  	v57 =	vld.idx.msk [tilespmem:v0+s17+$0xFFFFFFC0 ss:$0x1], $0xffff;
	[tilespmem:s18+$0xFFFFFFF0] =	vst v3  }
0x38: {  	v58 =	vld.idx.msk [tilespmem:v0+s17+$0xFFFFFFD0 ss:$0x1], $0xffff;
	[tilespmem:s18+$0x0] =	vst v1  }
0x39: {  	v59 =	vld.idx.msk [tilespmem:v0+s17+$0xFFFFFFE0 ss:$0x1], $0xffff;
	[tilespmem:s18+$0x10] =	vst v2  }
0x3a: {  	v60 =	vld.idx.msk [tilespmem:v0+s17+$0xFFFFFFF0 ss:$0x1], $0xffff;
	s31 =	sadd.s32 $0x800, s18;
	[tilespmem:s18+$0x20] =	vst v6  }
0x3b: {  	v61 =	vld.idx.msk [tilespmem:v0+s17+$0x0 ss:$0x1], $0xffff;
	[tilespmem:s31+$0x30] =	vst v56  }
0x3c: {  	v62 =	vld.idx.msk [tilespmem:v0+s17+$0x10 ss:$0x1], $0xffff;
	s16 =	sadd.s32 $0x1, s16;
	[tilespmem:s31+$0xFFFFFFC0] =	vst v57  }
0x3d: {  	v63 =	vld.idx.msk [tilespmem:v0+s17+$0x20 ss:$0x1], $0xffff;
	p1 =	sne.s32 s16, $0x10;
	[tilespmem:s31+$0xFFFFFFD0] =	vst v58  }
.Ltmp4:
0x3e: {  	[tilespmem:s31+$0xFFFFFFE0] =	vst v59;
	(pc) =	sbr.rel @p1 .LBB1_3-.Ltmp4, $4  }
0x3f: {  	[tilespmem:s31+$0xFFFFFFF0] =	vst v60  }
0x40: {  	[tilespmem:s31+$0x0] =	vst v61  }
0x41: {  	[tilespmem:s31+$0x10] =	vst v62  }
0x42: {  	s13 =	sadd.s32 $0x80, s13;
	s15 =	sadd.s32 $0x400, s15;
	[tilespmem:s31+$0x20] =	vst v63  }
.Ltmp5:
0x43: {  	(pc) =	sbr.rel .LBB1_7-.Ltmp5, $4  }
0x44: {  	s12 =	sshll.u32 s12, $0xC;
	s11 =	sshll.u32 s11, $0x4  }
0x45: {  	s11 =	sand.u32 $0x1F0, s11;
	s12 =	sadd.s32 s3, s12  }
0x46: {  	s11 =	sadd.s32 s11, s12  }
0x47: {  	[hbm4b:s11+s6] =	stream.strided.scatter [tilespmem:s14], [sflag:$0x2], $0x4000, s7, s6, $0x38;
	[tilespmem:$0x10000] =	vst v63  }
.LBB1_8:
0x48: {  	_ =	sfence.sel $0x180000  }
0x49: {  	s2 =	simm.s32 $0x1;
	[bflag:$0x0] =	sbarrier.arrive $0xFFFF  }
0x4a: {  	s31 =	simm.s32 $0x2;
	[sflag:s2] =	ssyncpa.u1 $0x1  }
0x4b: {  	[sflag:s31] =	ssyncpa.u1 $0x1  }
0x4c: {  	p0 =	sne.s32 s1, $0x0;
	_ =	strace $0x90000047  }
0x4d: {  	s0 =	sadd.s32 @!p0 $0x100000, s0;
	[bflag:$0x2] =	sbarrier.arrive $0xFFFF  }
0x4e: {  	[sflag:s0] =	ssyncadd.tile.s32 @!p0 $0x1;
	_ =	shalt  }
.Lfunc_end1:
_tile_overlayer_lowered:
.L_overlay_start_2:
0x4f: {  	(tag) =	ssettag $0x2  }
0x50: {  	s0 =	rddreg [dreg:$0x0];
	s2 =	stileid.u32  }
0x51: {  	s1 =	rddreg [dreg:$0x1];
	p0 =	sne.s32 s2, $0x0  }
0x52: {  	s3 =	rddreg [dreg:$0x2];
	[bflag:$0x3] =	sbarrier.arrive $0xFFFF;
	s2 =	simm.s32 @!p0 $0x1C01  }
0x53: {  	[timem:s3], [sflag:s2] =	dma.local @!p0 [hbm:s0], s1  }
0x54: {  	s0 =	simm.s32 @!p0 $0x1  }
0x55: {  	_ =	swait.ge @!p0 [sflag:s0], s1  }
0x56: {  	s1 =	ssub.s32 @!p0 $0x0, s1;
	[sflag:s0] =	ssyncset.done @!p0 $0x0  }
0x57: {  	[sflag:s0] =	ssyncadd.s32 @!p0 s1  }
0x58: {  	[bflag:$0x3] =	sbarrier.arrive $0xFFFF  }
0x59: {  	_ =	shalt  }

</sc_bundles>
